<compile_context>
chip_gen: v7x
topology: tpu7x:2x2x1
jax: 0.10.2.dev20260603
libtpu: 0.0.44.dev20260713+nightly
codegen_flags: <defaults>
</compile_context>

<pallas_src>
import functools

import jax
import jax.numpy as jnp
from jax import lax
from jax.experimental import pallas as pl
from jax.experimental.pallas import tpu as pltpu
from jax.experimental.pallas import tpu_sc as plsc

NUM_CODES = 512
LATENT_DIM = 384
BETA = 0.25
N_TOKENS = 32768
BN = 4096
NSTRIPE = 1
ST = N_TOKENS // NSTRIPE
G_S = ST // BN

_SC_INFO = plsc.get_sparse_core_info()
NC = _SC_INFO.num_cores
NS = _SC_INFO.num_subcores
NW = NC * NS
RPW = ST // NW
CH = 128
NCHUNK = RPW // CH


def _tc_body(z_ref, wn_ref, s_ref, idx_ref, loss_ref):
    i = pl.program_id(0)

    @pl.when(i == 0)
    def _init():
        loss_ref[...] = jnp.zeros((1, 1), jnp.float32)

    wn = wn_ref[...]
    z = z_ref[...]
    zn = z / jnp.maximum(jnp.sqrt(jnp.sum(z * z, axis=1, keepdims=True)), 1e-12)
    t = jnp.sum(zn * zn, axis=1, keepdims=True)
    m = jax.lax.dot_general(zn, wn, (((1,), (1,)), ((), ())),
                            preferred_element_type=jnp.float32)
    d = (t + s_ref[...]) - 2.0 * m
    mind = jnp.min(d, axis=1)
    iota = jax.lax.broadcasted_iota(jnp.int32, d.shape, 1)
    idx = jnp.min(jnp.where(d == mind[:, None], iota, NUM_CODES), axis=1)
    idx_ref[0, 0, :] = idx
    loss_ref[...] += jnp.sum(mind)[None, None]


def _tc_stripe(k):
    return pl.pallas_call(
        _tc_body,
        grid=(G_S,),
        in_specs=[
            pl.BlockSpec((BN, LATENT_DIM), lambda i, k=k: (k * G_S + i, 0)),
            pl.BlockSpec((NUM_CODES, LATENT_DIM), lambda i: (0, 0)),
            pl.BlockSpec((1, NUM_CODES), lambda i: (0, 0)),
        ],
        out_specs=[
            pl.BlockSpec((1, 1, BN), lambda i: (i, 0, 0)),
            pl.BlockSpec((1, 1), lambda i: (0, 0)),
        ],
        out_shape=[
            jax.ShapeDtypeStruct((G_S, 1, BN), jnp.int32),
            jax.ShapeDtypeStruct((1, 1), jnp.float32),
        ],
        compiler_params=pltpu.CompilerParams(
            dimension_semantics=("arbitrary",),
        ),
    )


_sc_mesh = plsc.VectorSubcoreMesh(core_axis_name="c", subcore_axis_name="s")


@functools.partial(
    pl.kernel,
    mesh=_sc_mesh,
    out_type=jax.ShapeDtypeStruct((ST, LATENT_DIM), jnp.float32),
    scratch_types=[
        pltpu.VMEM((CH,), jnp.int32),
        pltpu.VMEM((CH,), jnp.int32),
        pltpu.VMEM((CH, LATENT_DIM), jnp.float32),
        pltpu.VMEM((CH, LATENT_DIM), jnp.float32),
        pltpu.SemaphoreType.DMA,
        pltpu.SemaphoreType.DMA,
        pltpu.SemaphoreType.DMA,
        pltpu.SemaphoreType.DMA,
    ],
)
def _sc_gather(wn_hbm, idx_hbm, out_hbm, idx_v0, idx_v1, rows_v0, rows_v1,
               sg0, sg1, ss0, ss1):
    wid = lax.axis_index("s") * NC + lax.axis_index("c")
    base = wid * RPW
    idx_bufs = (idx_v0, idx_v1)
    row_bufs = (rows_v0, rows_v1)
    gsems = (sg0, sg1)
    ssems = (ss0, ss1)
    gh = [None, None]
    sh = [None, None]
    pltpu.sync_copy(idx_hbm.at[pl.ds(base, CH)], idx_bufs[0])
    gh[0] = pltpu.async_copy(wn_hbm.at[idx_bufs[0]], row_bufs[0], gsems[0])
    for j in range(NCHUNK):
        b, nb = j % 2, (j + 1) % 2
        if j + 1 < NCHUNK:
            off = base + (j + 1) * CH
            pltpu.sync_copy(idx_hbm.at[pl.ds(off, CH)], idx_bufs[nb])
            if sh[nb] is not None:
                sh[nb].wait()
                sh[nb] = None
            gh[nb] = pltpu.async_copy(
                wn_hbm.at[idx_bufs[nb]], row_bufs[nb], gsems[nb])
        gh[b].wait()
        sh[b] = pltpu.async_copy(
            row_bufs[b], out_hbm.at[pl.ds(base + j * CH, CH)], ssems[b])
    for h in sh:
        if h is not None:
            h.wait()


@jax.jit
def _run(z, weight):
    wn = weight / jnp.maximum(jnp.linalg.norm(weight, axis=1, keepdims=True), 1e-12)
    s = jnp.sum(wn ** 2, axis=1)
    idx_parts, zq_parts, loss_parts = [], [], []
    for k in range(NSTRIPE):
        idx3, losssum = _tc_stripe(k)(z, wn, s[None, :])
        idx_k = idx3.reshape(ST)
        zq_parts.append(_sc_gather(wn, idx_k))
        idx_parts.append(idx_k)
        loss_parts.append(losssum)
    zq = zq_parts[0] if NSTRIPE == 1 else jnp.concatenate(zq_parts, axis=0)
    idx = idx_parts[0] if NSTRIPE == 1 else jnp.concatenate(idx_parts, axis=0)
    losssum = sum(p[0, 0] for p in loss_parts)
    loss = losssum * ((1.0 + BETA) / (N_TOKENS * LATENT_DIM))
    return zq, idx, loss


def kernel(z, weight):
    return _run(z, weight)

# --- scband reference (transcript-rebuilt; emitter-appended) ---
"""Pipeline reference for scband-codebook-18038862643696 (READ-ONLY COPY).

The authoritative reference and input builder live on the scoring server;
editing this copy changes nothing except your own understanding.
"""

import jax, jax.numpy as jnp
import numpy as np

NUM_CODES = 512
LATENT_DIM = 384
BETA = 0.25


def setup_inputs(seed: int = 0) -> dict:
    key = jax.random.key(seed)
    k1, k2 = jax.random.split(key)
    z = jax.random.normal(k1, (32768, LATENT_DIM), dtype=jnp.float32)
    weight = jax.random.normal(k2, (NUM_CODES, LATENT_DIM), dtype=jnp.float32)
    return {"z": z, "weight": weight}


def reference(z, weight):
    # F.normalize(weight, dim=1): row-normalize codebook (eps clamp like torch)
    w = weight / jnp.maximum(jnp.linalg.norm(weight, axis=1, keepdims=True), 1e-12)
    # F.normalize(z, dim=-1)
    zn = z / jnp.maximum(jnp.linalg.norm(z, axis=-1, keepdims=True), 1e-12)
    # squared L2 distances to every code
    d = (jnp.sum(zn ** 2, axis=1, keepdims=True)
         + jnp.sum(w ** 2, axis=1)
         - 2.0 * jnp.matmul(zn, w.T))
    min_encoding_indices = jnp.argmin(d, axis=1)
    z_q = jnp.take(w, min_encoding_indices, axis=0).reshape(zn.shape)
    sg = jax.lax.stop_gradient
    loss = jnp.mean((sg(z_q) - zn) ** 2) + BETA * jnp.mean((z_q - sg(zn)) ** 2)
    z_q_out = zn + sg(z_q - zn)  # straight-through estimator
    return (z_q_out, min_encoding_indices, loss)

if __name__ == "__main__":
    import jax
    _d = setup_inputs()
    print(jax.jit(kernel)(*tuple(_d.values())))

</pallas_src>

<mosaic_0001>
#map = affine_map<(d0, d1) -> (0, 0)>
#map1 = affine_map<(d0, d1) -> (0)>
module attributes {stable_mosaic.version = 14 : i64} {
  func.func @_sc_gather(%arg0: i32, %arg1: i32, %arg2: memref<512x384xf32, #tpu.memory_space<hbm>>, %arg3: memref<32768xi32, #tpu.memory_space<hbm>>, %arg4: memref<32768x384xf32, #tpu.memory_space<hbm>>, %arg5: memref<128xi32, #tpu.memory_space<vmem>>, %arg6: memref<128xi32, #tpu.memory_space<vmem>>, %arg7: memref<128x384xf32, #tpu.memory_space<vmem>>, %arg8: memref<128x384xf32, #tpu.memory_space<vmem>>, %arg9: memref<!tpu.dma_semaphore, #tpu.memory_space<semaphore_mem>>, %arg10: memref<!tpu.dma_semaphore, #tpu.memory_space<semaphore_mem>>, %arg11: memref<!tpu.dma_semaphore, #tpu.memory_space<semaphore_mem>>, %arg12: memref<!tpu.dma_semaphore, #tpu.memory_space<semaphore_mem>>) attributes {dimension_semantics = [#tpu.dimension_semantics<core_parallel>, #tpu.dimension_semantics<subcore_parallel>], iteration_bounds = array<i64: 2, 16>, scalar_prefetch = 0 : i64, scratch_operands = 8 : i64, tpu.core_type = #tpu.core_type<sc_vector_subcore>, window_params = [{transform_indices = #map}, {transform_indices = #map1}, {transform_indices = #map}]} {
    %mul3A = arith.constant 2 : i32
    %mul3A_0 = arith.muli %arg1, %mul3A : i32
    %add3A = arith.addi %mul3A_0, %arg0 : i32
    %mul3A_1 = arith.constant 1024 : i32
    %mul3A_2 = arith.muli %add3A, %mul3A_1 : i32
    "tpu.region"() ({
      %run_scoped3A = tpu.sem_alloc : memref<!tpu.dma_semaphore, #tpu.memory_space<semaphore_mem>>
      %dma_start3A_143 = tpu.memref_slice %arg3[%mul3A_2] : memref<32768xi32, #tpu.memory_space<hbm>> -> memref<128xi32, #tpu.memory_space<hbm>>
      %dma_start3A_144 = tpu.memref_slice %arg3[%mul3A_2] : memref<32768xi32, #tpu.memory_space<hbm>> -> memref<128xi32, #tpu.memory_space<hbm>>
      tpu.enqueue_dma source(%dma_start3A_144 : memref<128xi32, #tpu.memory_space<hbm>>) target(%arg5 : memref<128xi32, #tpu.memory_space<vmem>>) target_semaphore(%run_scoped3A : memref<!tpu.dma_semaphore, #tpu.memory_space<semaphore_mem>>)
      %dma_wait3A_145 = tpu.memref_slice %arg3[%mul3A_2] : memref<32768xi32, #tpu.memory_space<hbm>> -> memref<128xi32, #tpu.memory_space<hbm>>
      %dma_wait3A_146 = tpu.memref_slice %arg3[%mul3A_2] : memref<32768xi32, #tpu.memory_space<hbm>> -> memref<128xi32, #tpu.memory_space<hbm>>
      tpu.wait_dma2 semaphore(%run_scoped3A : memref<!tpu.dma_semaphore, #tpu.memory_space<semaphore_mem>>) src(%dma_wait3A_146 : memref<128xi32, #tpu.memory_space<hbm>>) dst(%arg5 : memref<128xi32, #tpu.memory_space<vmem>>)
      tpu.yield
    }) : () -> ()
    %dma_start3A = arith.constant 0 : i32
    %dma_start3A_3 = arith.constant 0 : i32
    %dma_start3A_4 = tpu.memref_slice %arg2[%dma_start3A, %dma_start3A_3] : memref<512x384xf32, #tpu.memory_space<hbm>> -> memref<512x384xf32, #tpu.memory_space<hbm>>
    tpu.enqueue_indirect_dma source(%dma_start3A_4 : memref<512x384xf32, #tpu.memory_space<hbm>>) target(%arg7 : memref<128x384xf32, #tpu.memory_space<vmem>>) offsets(%arg5 : memref<128xi32, #tpu.memory_space<vmem>>) semaphore(%arg9 : memref<!tpu.dma_semaphore, #tpu.memory_space<semaphore_mem>>)
    %add3A_5 = arith.constant 128 : i32
    %add3A_6 = arith.addi %mul3A_2, %add3A_5 : i32
    "tpu.region"() ({
      %run_scoped3A = tpu.sem_alloc : memref<!tpu.dma_semaphore, #tpu.memory_space<semaphore_mem>>
      %dma_start3A_143 = tpu.memref_slice %arg3[%add3A_6] : memref<32768xi32, #tpu.memory_space<hbm>> -> memref<128xi32, #tpu.memory_space<hbm>>
      %dma_start3A_144 = tpu.memref_slice %arg3[%add3A_6] : memref<32768xi32, #tpu.memory_space<hbm>> -> memref<128xi32, #tpu.memory_space<hbm>>
      tpu.enqueue_dma source(%dma_start3A_144 : memref<128xi32, #tpu.memory_space<hbm>>) target(%arg6 : memref<128xi32, #tpu.memory_space<vmem>>) target_semaphore(%run_scoped3A : memref<!tpu.dma_semaphore, #tpu.memory_space<semaphore_mem>>)
      %dma_wait3A_145 = tpu.memref_slice %arg3[%add3A_6] : memref<32768xi32, #tpu.memory_space<hbm>> -> memref<128xi32, #tpu.memory_space<hbm>>
      %dma_wait3A_146 = tpu.memref_slice %arg3[%add3A_6] : memref<32768xi32, #tpu.memory_space<hbm>> -> memref<128xi32, #tpu.memory_space<hbm>>
      tpu.wait_dma2 semaphore(%run_scoped3A : memref<!tpu.dma_semaphore, #tpu.memory_space<semaphore_mem>>) src(%dma_wait3A_146 : memref<128xi32, #tpu.memory_space<hbm>>) dst(%arg6 : memref<128xi32, #tpu.memory_space<vmem>>)
      tpu.yield
    }) : () -> ()
    %dma_start3A_7 = arith.constant 0 : i32
    %dma_start3A_8 = arith.constant 0 : i32
    %dma_start3A_9 = tpu.memref_slice %arg2[%dma_start3A_7, %dma_start3A_8] : memref<512x384xf32, #tpu.memory_space<hbm>> -> memref<512x384xf32, #tpu.memory_space<hbm>>
    tpu.enqueue_indirect_dma source(%dma_start3A_9 : memref<512x384xf32, #tpu.memory_space<hbm>>) target(%arg8 : memref<128x384xf32, #tpu.memory_space<vmem>>) offsets(%arg6 : memref<128xi32, #tpu.memory_space<vmem>>) semaphore(%arg10 : memref<!tpu.dma_semaphore, #tpu.memory_space<semaphore_mem>>)
    %dma_wait3A = arith.constant 0 : i32
    %dma_wait3A_10 = arith.constant 0 : i32
    %dma_wait3A_11 = tpu.memref_slice %arg2[%dma_wait3A, %dma_wait3A_10] : memref<512x384xf32, #tpu.memory_space<hbm>> -> memref<512x384xf32, #tpu.memory_space<hbm>>
    tpu.wait_indirect_dma semaphore(%arg9 : memref<!tpu.dma_semaphore, #tpu.memory_space<semaphore_mem>>) src(%dma_wait3A_11 : memref<512x384xf32, #tpu.memory_space<hbm>>) dst(%arg7 : memref<128x384xf32, #tpu.memory_space<vmem>>)
    %add3A_12 = arith.constant 0 : i32
    %add3A_13 = arith.addi %mul3A_2, %add3A_12 : i32
    %dma_start3A_14 = arith.constant 0 : i32
    %dma_start3A_15 = tpu.memref_slice %arg4[%add3A_13, %dma_start3A_14] : memref<32768x384xf32, #tpu.memory_space<hbm>> -> memref<128x384xf32, #tpu.memory_space<hbm>>
    %dma_start3A_16 = arith.constant 0 : i32
    %dma_start3A_17 = tpu.memref_slice %arg4[%add3A_13, %dma_start3A_16] : memref<32768x384xf32, #tpu.memory_space<hbm>> -> memref<128x384xf32, #tpu.memory_space<hbm>>
    tpu.enqueue_dma source(%arg7 : memref<128x384xf32, #tpu.memory_space<vmem>>) target(%dma_start3A_17 : memref<128x384xf32, #tpu.memory_space<hbm>>) target_semaphore(%arg11 : memref<!tpu.dma_semaphore, #tpu.memory_space<semaphore_mem>>)
    %add3A_18 = arith.constant 256 : i32
    %add3A_19 = arith.addi %mul3A_2, %add3A_18 : i32
    "tpu.region"() ({
      %run_scoped3A = tpu.sem_alloc : memref<!tpu.dma_semaphore, #tpu.memory_space<semaphore_mem>>
      %dma_start3A_143 = tpu.memref_slice %arg3[%add3A_19] : memref<32768xi32, #tpu.memory_space<hbm>> -> memref<128xi32, #tpu.memory_space<hbm>>
      %dma_start3A_144 = tpu.memref_slice %arg3[%add3A_19] : memref<32768xi32, #tpu.memory_space<hbm>> -> memref<128xi32, #tpu.memory_space<hbm>>
      tpu.enqueue_dma source(%dma_start3A_144 : memref<128xi32, #tpu.memory_space<hbm>>) target(%arg5 : memref<128xi32, #tpu.memory_space<vmem>>) target_semaphore(%run_scoped3A : memref<!tpu.dma_semaphore, #tpu.memory_space<semaphore_mem>>)
      %dma_wait3A_145 = tpu.memref_slice %arg3[%add3A_19] : memref<32768xi32, #tpu.memory_space<hbm>> -> memref<128xi32, #tpu.memory_space<hbm>>
      %dma_wait3A_146 = tpu.memref_slice %arg3[%add3A_19] : memref<32768xi32, #tpu.memory_space<hbm>> -> memref<128xi32, #tpu.memory_space<hbm>>
      tpu.wait_dma2 semaphore(%run_scoped3A : memref<!tpu.dma_semaphore, #tpu.memory_space<semaphore_mem>>) src(%dma_wait3A_146 : memref<128xi32, #tpu.memory_space<hbm>>) dst(%arg5 : memref<128xi32, #tpu.memory_space<vmem>>)
      tpu.yield
    }) : () -> ()
    %dma_wait3A_20 = arith.constant 0 : i32
    %dma_wait3A_21 = tpu.memref_slice %arg4[%add3A_13, %dma_wait3A_20] : memref<32768x384xf32, #tpu.memory_space<hbm>> -> memref<128x384xf32, #tpu.memory_space<hbm>>
    %dma_wait3A_22 = arith.constant 0 : i32
    %dma_wait3A_23 = tpu.memref_slice %arg4[%add3A_13, %dma_wait3A_22] : memref<32768x384xf32, #tpu.memory_space<hbm>> -> memref<128x384xf32, #tpu.memory_space<hbm>>
    tpu.wait_dma2 semaphore(%arg11 : memref<!tpu.dma_semaphore, #tpu.memory_space<semaphore_mem>>) src(%arg7 : memref<128x384xf32, #tpu.memory_space<vmem>>) dst(%dma_wait3A_23 : memref<128x384xf32, #tpu.memory_space<hbm>>)
    %dma_start3A_24 = arith.constant 0 : i32
    %dma_start3A_25 = arith.constant 0 : i32
    %dma_start3A_26 = tpu.memref_slice %arg2[%dma_start3A_24, %dma_start3A_25] : memref<512x384xf32, #tpu.memory_space<hbm>> -> memref<512x384xf32, #tpu.memory_space<hbm>>
    tpu.enqueue_indirect_dma source(%dma_start3A_26 : memref<512x384xf32, #tpu.memory_space<hbm>>) target(%arg7 : memref<128x384xf32, #tpu.memory_space<vmem>>) offsets(%arg5 : memref<128xi32, #tpu.memory_space<vmem>>) semaphore(%arg9 : memref<!tpu.dma_semaphore, #tpu.memory_space<semaphore_mem>>)
    %dma_wait3A_27 = arith.constant 0 : i32
    %dma_wait3A_28 = arith.constant 0 : i32
    %dma_wait3A_29 = tpu.memref_slice %arg2[%dma_wait3A_27, %dma_wait3A_28] : memref<512x384xf32, #tpu.memory_space<hbm>> -> memref<512x384xf32, #tpu.memory_space<hbm>>
    tpu.wait_indirect_dma semaphore(%arg10 : memref<!tpu.dma_semaphore, #tpu.memory_space<semaphore_mem>>) src(%dma_wait3A_29 : memref<512x384xf32, #tpu.memory_space<hbm>>) dst(%arg8 : memref<128x384xf32, #tpu.memory_space<vmem>>)
    %add3A_30 = arith.constant 128 : i32
    %add3A_31 = arith.addi %mul3A_2, %add3A_30 : i32
    %dma_start3A_32 = arith.constant 0 : i32
    %dma_start3A_33 = tpu.memref_slice %arg4[%add3A_31, %dma_start3A_32] : memref<32768x384xf32, #tpu.memory_space<hbm>> -> memref<128x384xf32, #tpu.memory_space<hbm>>
    %dma_start3A_34 = arith.constant 0 : i32
    %dma_start3A_35 = tpu.memref_slice %arg4[%add3A_31, %dma_start3A_34] : memref<32768x384xf32, #tpu.memory_space<hbm>> -> memref<128x384xf32, #tpu.memory_space<hbm>>
    tpu.enqueue_dma source(%arg8 : memref<128x384xf32, #tpu.memory_space<vmem>>) target(%dma_start3A_35 : memref<128x384xf32, #tpu.memory_space<hbm>>) target_semaphore(%arg12 : memref<!tpu.dma_semaphore, #tpu.memory_space<semaphore_mem>>)
    %add3A_36 = arith.constant 384 : i32
    %add3A_37 = arith.addi %mul3A_2, %add3A_36 : i32
    "tpu.region"() ({
      %run_scoped3A = tpu.sem_alloc : memref<!tpu.dma_semaphore, #tpu.memory_space<semaphore_mem>>
      %dma_start3A_143 = tpu.memref_slice %arg3[%add3A_37] : memref<32768xi32, #tpu.memory_space<hbm>> -> memref<128xi32, #tpu.memory_space<hbm>>
      %dma_start3A_144 = tpu.memref_slice %arg3[%add3A_37] : memref<32768xi32, #tpu.memory_space<hbm>> -> memref<128xi32, #tpu.memory_space<hbm>>
      tpu.enqueue_dma source(%dma_start3A_144 : memref<128xi32, #tpu.memory_space<hbm>>) target(%arg6 : memref<128xi32, #tpu.memory_space<vmem>>) target_semaphore(%run_scoped3A : memref<!tpu.dma_semaphore, #tpu.memory_space<semaphore_mem>>)
      %dma_wait3A_145 = tpu.memref_slice %arg3[%add3A_37] : memref<32768xi32, #tpu.memory_space<hbm>> -> memref<128xi32, #tpu.memory_space<hbm>>
      %dma_wait3A_146 = tpu.memref_slice %arg3[%add3A_37] : memref<32768xi32, #tpu.memory_space<hbm>> -> memref<128xi32, #tpu.memory_space<hbm>>
      tpu.wait_dma2 semaphore(%run_scoped3A : memref<!tpu.dma_semaphore, #tpu.memory_space<semaphore_mem>>) src(%dma_wait3A_146 : memref<128xi32, #tpu.memory_space<hbm>>) dst(%arg6 : memref<128xi32, #tpu.memory_space<vmem>>)
      tpu.yield
    }) : () -> ()
    %dma_wait3A_38 = arith.constant 0 : i32
    %dma_wait3A_39 = tpu.memref_slice %arg4[%add3A_31, %dma_wait3A_38] : memref<32768x384xf32, #tpu.memory_space<hbm>> -> memref<128x384xf32, #tpu.memory_space<hbm>>
    %dma_wait3A_40 = arith.constant 0 : i32
    %dma_wait3A_41 = tpu.memref_slice %arg4[%add3A_31, %dma_wait3A_40] : memref<32768x384xf32, #tpu.memory_space<hbm>> -> memref<128x384xf32, #tpu.memory_space<hbm>>
    tpu.wait_dma2 semaphore(%arg12 : memref<!tpu.dma_semaphore, #tpu.memory_space<semaphore_mem>>) src(%arg8 : memref<128x384xf32, #tpu.memory_space<vmem>>) dst(%dma_wait3A_41 : memref<128x384xf32, #tpu.memory_space<hbm>>)
    %dma_start3A_42 = arith.constant 0 : i32
    %dma_start3A_43 = arith.constant 0 : i32
    %dma_start3A_44 = tpu.memref_slice %arg2[%dma_start3A_42, %dma_start3A_43] : memref<512x384xf32, #tpu.memory_space<hbm>> -> memref<512x384xf32, #tpu.memory_space<hbm>>
    tpu.enqueue_indirect_dma source(%dma_start3A_44 : memref<512x384xf32, #tpu.memory_space<hbm>>) target(%arg8 : memref<128x384xf32, #tpu.memory_space<vmem>>) offsets(%arg6 : memref<128xi32, #tpu.memory_space<vmem>>) semaphore(%arg10 : memref<!tpu.dma_semaphore, #tpu.memory_space<semaphore_mem>>)
    %dma_wait3A_45 = arith.constant 0 : i32
    %dma_wait3A_46 = arith.constant 0 : i32
    %dma_wait3A_47 = tpu.memref_slice %arg2[%dma_wait3A_45, %dma_wait3A_46] : memref<512x384xf32, #tpu.memory_space<hbm>> -> memref<512x384xf32, #tpu.memory_space<hbm>>
    tpu.wait_indirect_dma semaphore(%arg9 : memref<!tpu.dma_semaphore, #tpu.memory_space<semaphore_mem>>) src(%dma_wait3A_47 : memref<512x384xf32, #tpu.memory_space<hbm>>) dst(%arg7 : memref<128x384xf32, #tpu.memory_space<vmem>>)
    %add3A_48 = arith.constant 256 : i32
    %add3A_49 = arith.addi %mul3A_2, %add3A_48 : i32
    %dma_start3A_50 = arith.constant 0 : i32
    %dma_start3A_51 = tpu.memref_slice %arg4[%add3A_49, %dma_start3A_50] : memref<32768x384xf32, #tpu.memory_space<hbm>> -> memref<128x384xf32, #tpu.memory_space<hbm>>
    %dma_start3A_52 = arith.constant 0 : i32
    %dma_start3A_53 = tpu.memref_slice %arg4[%add3A_49, %dma_start3A_52] : memref<32768x384xf32, #tpu.memory_space<hbm>> -> memref<128x384xf32, #tpu.memory_space<hbm>>
    tpu.enqueue_dma source(%arg7 : memref<128x384xf32, #tpu.memory_space<vmem>>) target(%dma_start3A_53 : memref<128x384xf32, #tpu.memory_space<hbm>>) target_semaphore(%arg11 : memref<!tpu.dma_semaphore, #tpu.memory_space<semaphore_mem>>)
    %add3A_54 = arith.constant 512 : i32
    %add3A_55 = arith.addi %mul3A_2, %add3A_54 : i32
    "tpu.region"() ({
      %run_scoped3A = tpu.sem_alloc : memref<!tpu.dma_semaphore, #tpu.memory_space<semaphore_mem>>
      %dma_start3A_143 = tpu.memref_slice %arg3[%add3A_55] : memref<32768xi32, #tpu.memory_space<hbm>> -> memref<128xi32, #tpu.memory_space<hbm>>
      %dma_start3A_144 = tpu.memref_slice %arg3[%add3A_55] : memref<32768xi32, #tpu.memory_space<hbm>> -> memref<128xi32, #tpu.memory_space<hbm>>
      tpu.enqueue_dma source(%dma_start3A_144 : memref<128xi32, #tpu.memory_space<hbm>>) target(%arg5 : memref<128xi32, #tpu.memory_space<vmem>>) target_semaphore(%run_scoped3A : memref<!tpu.dma_semaphore, #tpu.memory_space<semaphore_mem>>)
      %dma_wait3A_145 = tpu.memref_slice %arg3[%add3A_55] : memref<32768xi32, #tpu.memory_space<hbm>> -> memref<128xi32, #tpu.memory_space<hbm>>
      %dma_wait3A_146 = tpu.memref_slice %arg3[%add3A_55] : memref<32768xi32, #tpu.memory_space<hbm>> -> memref<128xi32, #tpu.memory_space<hbm>>
      tpu.wait_dma2 semaphore(%run_scoped3A : memref<!tpu.dma_semaphore, #tpu.memory_space<semaphore_mem>>) src(%dma_wait3A_146 : memref<128xi32, #tpu.memory_space<hbm>>) dst(%arg5 : memref<128xi32, #tpu.memory_space<vmem>>)
      tpu.yield
    }) : () -> ()
    %dma_wait3A_56 = arith.constant 0 : i32
    %dma_wait3A_57 = tpu.memref_slice %arg4[%add3A_49, %dma_wait3A_56] : memref<32768x384xf32, #tpu.memory_space<hbm>> -> memref<128x384xf32, #tpu.memory_space<hbm>>
    %dma_wait3A_58 = arith.constant 0 : i32
    %dma_wait3A_59 = tpu.memref_slice %arg4[%add3A_49, %dma_wait3A_58] : memref<32768x384xf32, #tpu.memory_space<hbm>> -> memref<128x384xf32, #tpu.memory_space<hbm>>
    tpu.wait_dma2 semaphore(%arg11 : memref<!tpu.dma_semaphore, #tpu.memory_space<semaphore_mem>>) src(%arg7 : memref<128x384xf32, #tpu.memory_space<vmem>>) dst(%dma_wait3A_59 : memref<128x384xf32, #tpu.memory_space<hbm>>)
    %dma_start3A_60 = arith.constant 0 : i32
    %dma_start3A_61 = arith.constant 0 : i32
    %dma_start3A_62 = tpu.memref_slice %arg2[%dma_start3A_60, %dma_start3A_61] : memref<512x384xf32, #tpu.memory_space<hbm>> -> memref<512x384xf32, #tpu.memory_space<hbm>>
    tpu.enqueue_indirect_dma source(%dma_start3A_62 : memref<512x384xf32, #tpu.memory_space<hbm>>) target(%arg7 : memref<128x384xf32, #tpu.memory_space<vmem>>) offsets(%arg5 : memref<128xi32, #tpu.memory_space<vmem>>) semaphore(%arg9 : memref<!tpu.dma_semaphore, #tpu.memory_space<semaphore_mem>>)
    %dma_wait3A_63 = arith.constant 0 : i32
    %dma_wait3A_64 = arith.constant 0 : i32
    %dma_wait3A_65 = tpu.memref_slice %arg2[%dma_wait3A_63, %dma_wait3A_64] : memref<512x384xf32, #tpu.memory_space<hbm>> -> memref<512x384xf32, #tpu.memory_space<hbm>>
    tpu.wait_indirect_dma semaphore(%arg10 : memref<!tpu.dma_semaphore, #tpu.memory_space<semaphore_mem>>) src(%dma_wait3A_65 : memref<512x384xf32, #tpu.memory_space<hbm>>) dst(%arg8 : memref<128x384xf32, #tpu.memory_space<vmem>>)
    %add3A_66 = arith.constant 384 : i32
    %add3A_67 = arith.addi %mul3A_2, %add3A_66 : i32
    %dma_start3A_68 = arith.constant 0 : i32
    %dma_start3A_69 = tpu.memref_slice %arg4[%add3A_67, %dma_start3A_68] : memref<32768x384xf32, #tpu.memory_space<hbm>> -> memref<128x384xf32, #tpu.memory_space<hbm>>
    %dma_start3A_70 = arith.constant 0 : i32
    %dma_start3A_71 = tpu.memref_slice %arg4[%add3A_67, %dma_start3A_70] : memref<32768x384xf32, #tpu.memory_space<hbm>> -> memref<128x384xf32, #tpu.memory_space<hbm>>
    tpu.enqueue_dma source(%arg8 : memref<128x384xf32, #tpu.memory_space<vmem>>) target(%dma_start3A_71 : memref<128x384xf32, #tpu.memory_space<hbm>>) target_semaphore(%arg12 : memref<!tpu.dma_semaphore, #tpu.memory_space<semaphore_mem>>)
    %add3A_72 = arith.constant 640 : i32
    %add3A_73 = arith.addi %mul3A_2, %add3A_72 : i32
    "tpu.region"() ({
      %run_scoped3A = tpu.sem_alloc : memref<!tpu.dma_semaphore, #tpu.memory_space<semaphore_mem>>
      %dma_start3A_143 = tpu.memref_slice %arg3[%add3A_73] : memref<32768xi32, #tpu.memory_space<hbm>> -> memref<128xi32, #tpu.memory_space<hbm>>
      %dma_start3A_144 = tpu.memref_slice %arg3[%add3A_73] : memref<32768xi32, #tpu.memory_space<hbm>> -> memref<128xi32, #tpu.memory_space<hbm>>
      tpu.enqueue_dma source(%dma_start3A_144 : memref<128xi32, #tpu.memory_space<hbm>>) target(%arg6 : memref<128xi32, #tpu.memory_space<vmem>>) target_semaphore(%run_scoped3A : memref<!tpu.dma_semaphore, #tpu.memory_space<semaphore_mem>>)
      %dma_wait3A_145 = tpu.memref_slice %arg3[%add3A_73] : memref<32768xi32, #tpu.memory_space<hbm>> -> memref<128xi32, #tpu.memory_space<hbm>>
      %dma_wait3A_146 = tpu.memref_slice %arg3[%add3A_73] : memref<32768xi32, #tpu.memory_space<hbm>> -> memref<128xi32, #tpu.memory_space<hbm>>
      tpu.wait_dma2 semaphore(%run_scoped3A : memref<!tpu.dma_semaphore, #tpu.memory_space<semaphore_mem>>) src(%dma_wait3A_146 : memref<128xi32, #tpu.memory_space<hbm>>) dst(%arg6 : memref<128xi32, #tpu.memory_space<vmem>>)
      tpu.yield
    }) : () -> ()
    %dma_wait3A_74 = arith.constant 0 : i32
    %dma_wait3A_75 = tpu.memref_slice %arg4[%add3A_67, %dma_wait3A_74] : memref<32768x384xf32, #tpu.memory_space<hbm>> -> memref<128x384xf32, #tpu.memory_space<hbm>>
    %dma_wait3A_76 = arith.constant 0 : i32
    %dma_wait3A_77 = tpu.memref_slice %arg4[%add3A_67, %dma_wait3A_76] : memref<32768x384xf32, #tpu.memory_space<hbm>> -> memref<128x384xf32, #tpu.memory_space<hbm>>
    tpu.wait_dma2 semaphore(%arg12 : memref<!tpu.dma_semaphore, #tpu.memory_space<semaphore_mem>>) src(%arg8 : memref<128x384xf32, #tpu.memory_space<vmem>>) dst(%dma_wait3A_77 : memref<128x384xf32, #tpu.memory_space<hbm>>)
    %dma_start3A_78 = arith.constant 0 : i32
    %dma_start3A_79 = arith.constant 0 : i32
    %dma_start3A_80 = tpu.memref_slice %arg2[%dma_start3A_78, %dma_start3A_79] : memref<512x384xf32, #tpu.memory_space<hbm>> -> memref<512x384xf32, #tpu.memory_space<hbm>>
    tpu.enqueue_indirect_dma source(%dma_start3A_80 : memref<512x384xf32, #tpu.memory_space<hbm>>) target(%arg8 : memref<128x384xf32, #tpu.memory_space<vmem>>) offsets(%arg6 : memref<128xi32, #tpu.memory_space<vmem>>) semaphore(%arg10 : memref<!tpu.dma_semaphore, #tpu.memory_space<semaphore_mem>>)
    %dma_wait3A_81 = arith.constant 0 : i32
    %dma_wait3A_82 = arith.constant 0 : i32
    %dma_wait3A_83 = tpu.memref_slice %arg2[%dma_wait3A_81, %dma_wait3A_82] : memref<512x384xf32, #tpu.memory_space<hbm>> -> memref<512x384xf32, #tpu.memory_space<hbm>>
    tpu.wait_indirect_dma semaphore(%arg9 : memref<!tpu.dma_semaphore, #tpu.memory_space<semaphore_mem>>) src(%dma_wait3A_83 : memref<512x384xf32, #tpu.memory_space<hbm>>) dst(%arg7 : memref<128x384xf32, #tpu.memory_space<vmem>>)
    %add3A_84 = arith.constant 512 : i32
    %add3A_85 = arith.addi %mul3A_2, %add3A_84 : i32
    %dma_start3A_86 = arith.constant 0 : i32
    %dma_start3A_87 = tpu.memref_slice %arg4[%add3A_85, %dma_start3A_86] : memref<32768x384xf32, #tpu.memory_space<hbm>> -> memref<128x384xf32, #tpu.memory_space<hbm>>
    %dma_start3A_88 = arith.constant 0 : i32
    %dma_start3A_89 = tpu.memref_slice %arg4[%add3A_85, %dma_start3A_88] : memref<32768x384xf32, #tpu.memory_space<hbm>> -> memref<128x384xf32, #tpu.memory_space<hbm>>
    tpu.enqueue_dma source(%arg7 : memref<128x384xf32, #tpu.memory_space<vmem>>) target(%dma_start3A_89 : memref<128x384xf32, #tpu.memory_space<hbm>>) target_semaphore(%arg11 : memref<!tpu.dma_semaphore, #tpu.memory_space<semaphore_mem>>)
    %add3A_90 = arith.constant 768 : i32
    %add3A_91 = arith.addi %mul3A_2, %add3A_90 : i32
    "tpu.region"() ({
      %run_scoped3A = tpu.sem_alloc : memref<!tpu.dma_semaphore, #tpu.memory_space<semaphore_mem>>
      %dma_start3A_143 = tpu.memref_slice %arg3[%add3A_91] : memref<32768xi32, #tpu.memory_space<hbm>> -> memref<128xi32, #tpu.memory_space<hbm>>
      %dma_start3A_144 = tpu.memref_slice %arg3[%add3A_91] : memref<32768xi32, #tpu.memory_space<hbm>> -> memref<128xi32, #tpu.memory_space<hbm>>
      tpu.enqueue_dma source(%dma_start3A_144 : memref<128xi32, #tpu.memory_space<hbm>>) target(%arg5 : memref<128xi32, #tpu.memory_space<vmem>>) target_semaphore(%run_scoped3A : memref<!tpu.dma_semaphore, #tpu.memory_space<semaphore_mem>>)
      %dma_wait3A_145 = tpu.memref_slice %arg3[%add3A_91] : memref<32768xi32, #tpu.memory_space<hbm>> -> memref<128xi32, #tpu.memory_space<hbm>>
      %dma_wait3A_146 = tpu.memref_slice %arg3[%add3A_91] : memref<32768xi32, #tpu.memory_space<hbm>> -> memref<128xi32, #tpu.memory_space<hbm>>
      tpu.wait_dma2 semaphore(%run_scoped3A : memref<!tpu.dma_semaphore, #tpu.memory_space<semaphore_mem>>) src(%dma_wait3A_146 : memref<128xi32, #tpu.memory_space<hbm>>) dst(%arg5 : memref<128xi32, #tpu.memory_space<vmem>>)
      tpu.yield
    }) : () -> ()
    %dma_wait3A_92 = arith.constant 0 : i32
    %dma_wait3A_93 = tpu.memref_slice %arg4[%add3A_85, %dma_wait3A_92] : memref<32768x384xf32, #tpu.memory_space<hbm>> -> memref<128x384xf32, #tpu.memory_space<hbm>>
    %dma_wait3A_94 = arith.constant 0 : i32
    %dma_wait3A_95 = tpu.memref_slice %arg4[%add3A_85, %dma_wait3A_94] : memref<32768x384xf32, #tpu.memory_space<hbm>> -> memref<128x384xf32, #tpu.memory_space<hbm>>
    tpu.wait_dma2 semaphore(%arg11 : memref<!tpu.dma_semaphore, #tpu.memory_space<semaphore_mem>>) src(%arg7 : memref<128x384xf32, #tpu.memory_space<vmem>>) dst(%dma_wait3A_95 : memref<128x384xf32, #tpu.memory_space<hbm>>)
    %dma_start3A_96 = arith.constant 0 : i32
    %dma_start3A_97 = arith.constant 0 : i32
    %dma_start3A_98 = tpu.memref_slice %arg2[%dma_start3A_96, %dma_start3A_97] : memref<512x384xf32, #tpu.memory_space<hbm>> -> memref<512x384xf32, #tpu.memory_space<hbm>>
    tpu.enqueue_indirect_dma source(%dma_start3A_98 : memref<512x384xf32, #tpu.memory_space<hbm>>) target(%arg7 : memref<128x384xf32, #tpu.memory_space<vmem>>) offsets(%arg5 : memref<128xi32, #tpu.memory_space<vmem>>) semaphore(%arg9 : memref<!tpu.dma_semaphore, #tpu.memory_space<semaphore_mem>>)
    %dma_wait3A_99 = arith.constant 0 : i32
    %dma_wait3A_100 = arith.constant 0 : i32
    %dma_wait3A_101 = tpu.memref_slice %arg2[%dma_wait3A_99, %dma_wait3A_100] : memref<512x384xf32, #tpu.memory_space<hbm>> -> memref<512x384xf32, #tpu.memory_space<hbm>>
    tpu.wait_indirect_dma semaphore(%arg10 : memref<!tpu.dma_semaphore, #tpu.memory_space<semaphore_mem>>) src(%dma_wait3A_101 : memref<512x384xf32, #tpu.memory_space<hbm>>) dst(%arg8 : memref<128x384xf32, #tpu.memory_space<vmem>>)
    %add3A_102 = arith.constant 640 : i32
    %add3A_103 = arith.addi %mul3A_2, %add3A_102 : i32
    %dma_start3A_104 = arith.constant 0 : i32
    %dma_start3A_105 = tpu.memref_slice %arg4[%add3A_103, %dma_start3A_104] : memref<32768x384xf32, #tpu.memory_space<hbm>> -> memref<128x384xf32, #tpu.memory_space<hbm>>
    %dma_start3A_106 = arith.constant 0 : i32
    %dma_start3A_107 = tpu.memref_slice %arg4[%add3A_103, %dma_start3A_106] : memref<32768x384xf32, #tpu.memory_space<hbm>> -> memref<128x384xf32, #tpu.memory_space<hbm>>
    tpu.enqueue_dma source(%arg8 : memref<128x384xf32, #tpu.memory_space<vmem>>) target(%dma_start3A_107 : memref<128x384xf32, #tpu.memory_space<hbm>>) target_semaphore(%arg12 : memref<!tpu.dma_semaphore, #tpu.memory_space<semaphore_mem>>)
    %add3A_108 = arith.constant 896 : i32
    %add3A_109 = arith.addi %mul3A_2, %add3A_108 : i32
    "tpu.region"() ({
      %run_scoped3A = tpu.sem_alloc : memref<!tpu.dma_semaphore, #tpu.memory_space<semaphore_mem>>
      %dma_start3A_143 = tpu.memref_slice %arg3[%add3A_109] : memref<32768xi32, #tpu.memory_space<hbm>> -> memref<128xi32, #tpu.memory_space<hbm>>
      %dma_start3A_144 = tpu.memref_slice %arg3[%add3A_109] : memref<32768xi32, #tpu.memory_space<hbm>> -> memref<128xi32, #tpu.memory_space<hbm>>
      tpu.enqueue_dma source(%dma_start3A_144 : memref<128xi32, #tpu.memory_space<hbm>>) target(%arg6 : memref<128xi32, #tpu.memory_space<vmem>>) target_semaphore(%run_scoped3A : memref<!tpu.dma_semaphore, #tpu.memory_space<semaphore_mem>>)
      %dma_wait3A_145 = tpu.memref_slice %arg3[%add3A_109] : memref<32768xi32, #tpu.memory_space<hbm>> -> memref<128xi32, #tpu.memory_space<hbm>>
      %dma_wait3A_146 = tpu.memref_slice %arg3[%add3A_109] : memref<32768xi32, #tpu.memory_space<hbm>> -> memref<128xi32, #tpu.memory_space<hbm>>
      tpu.wait_dma2 semaphore(%run_scoped3A : memref<!tpu.dma_semaphore, #tpu.memory_space<semaphore_mem>>) src(%dma_wait3A_146 : memref<128xi32, #tpu.memory_space<hbm>>) dst(%arg6 : memref<128xi32, #tpu.memory_space<vmem>>)
      tpu.yield
    }) : () -> ()
    %dma_wait3A_110 = arith.constant 0 : i32
    %dma_wait3A_111 = tpu.memref_slice %arg4[%add3A_103, %dma_wait3A_110] : memref<32768x384xf32, #tpu.memory_space<hbm>> -> memref<128x384xf32, #tpu.memory_space<hbm>>
    %dma_wait3A_112 = arith.constant 0 : i32
    %dma_wait3A_113 = tpu.memref_slice %arg4[%add3A_103, %dma_wait3A_112] : memref<32768x384xf32, #tpu.memory_space<hbm>> -> memref<128x384xf32, #tpu.memory_space<hbm>>
    tpu.wait_dma2 semaphore(%arg12 : memref<!tpu.dma_semaphore, #tpu.memory_space<semaphore_mem>>) src(%arg8 : memref<128x384xf32, #tpu.memory_space<vmem>>) dst(%dma_wait3A_113 : memref<128x384xf32, #tpu.memory_space<hbm>>)
    %dma_start3A_114 = arith.constant 0 : i32
    %dma_start3A_115 = arith.constant 0 : i32
    %dma_start3A_116 = tpu.memref_slice %arg2[%dma_start3A_114, %dma_start3A_115] : memref<512x384xf32, #tpu.memory_space<hbm>> -> memref<512x384xf32, #tpu.memory_space<hbm>>
    tpu.enqueue_indirect_dma source(%dma_start3A_116 : memref<512x384xf32, #tpu.memory_space<hbm>>) target(%arg8 : memref<128x384xf32, #tpu.memory_space<vmem>>) offsets(%arg6 : memref<128xi32, #tpu.memory_space<vmem>>) semaphore(%arg10 : memref<!tpu.dma_semaphore, #tpu.memory_space<semaphore_mem>>)
    %dma_wait3A_117 = arith.constant 0 : i32
    %dma_wait3A_118 = arith.constant 0 : i32
    %dma_wait3A_119 = tpu.memref_slice %arg2[%dma_wait3A_117, %dma_wait3A_118] : memref<512x384xf32, #tpu.memory_space<hbm>> -> memref<512x384xf32, #tpu.memory_space<hbm>>
    tpu.wait_indirect_dma semaphore(%arg9 : memref<!tpu.dma_semaphore, #tpu.memory_space<semaphore_mem>>) src(%dma_wait3A_119 : memref<512x384xf32, #tpu.memory_space<hbm>>) dst(%arg7 : memref<128x384xf32, #tpu.memory_space<vmem>>)
    %add3A_120 = arith.constant 768 : i32
    %add3A_121 = arith.addi %mul3A_2, %add3A_120 : i32
    %dma_start3A_122 = arith.constant 0 : i32
    %dma_start3A_123 = tpu.memref_slice %arg4[%add3A_121, %dma_start3A_122] : memref<32768x384xf32, #tpu.memory_space<hbm>> -> memref<128x384xf32, #tpu.memory_space<hbm>>
    %dma_start3A_124 = arith.constant 0 : i32
    %dma_start3A_125 = tpu.memref_slice %arg4[%add3A_121, %dma_start3A_124] : memref<32768x384xf32, #tpu.memory_space<hbm>> -> memref<128x384xf32, #tpu.memory_space<hbm>>
    tpu.enqueue_dma source(%arg7 : memref<128x384xf32, #tpu.memory_space<vmem>>) target(%dma_start3A_125 : memref<128x384xf32, #tpu.memory_space<hbm>>) target_semaphore(%arg11 : memref<!tpu.dma_semaphore, #tpu.memory_space<semaphore_mem>>)
    %dma_wait3A_126 = arith.constant 0 : i32
    %dma_wait3A_127 = arith.constant 0 : i32
    %dma_wait3A_128 = tpu.memref_slice %arg2[%dma_wait3A_126, %dma_wait3A_127] : memref<512x384xf32, #tpu.memory_space<hbm>> -> memref<512x384xf32, #tpu.memory_space<hbm>>
    tpu.wait_indirect_dma semaphore(%arg10 : memref<!tpu.dma_semaphore, #tpu.memory_space<semaphore_mem>>) src(%dma_wait3A_128 : memref<512x384xf32, #tpu.memory_space<hbm>>) dst(%arg8 : memref<128x384xf32, #tpu.memory_space<vmem>>)
    %add3A_129 = arith.constant 896 : i32
    %add3A_130 = arith.addi %mul3A_2, %add3A_129 : i32
    %dma_start3A_131 = arith.constant 0 : i32
    %dma_start3A_132 = tpu.memref_slice %arg4[%add3A_130, %dma_start3A_131] : memref<32768x384xf32, #tpu.memory_space<hbm>> -> memref<128x384xf32, #tpu.memory_space<hbm>>
    %dma_start3A_133 = arith.constant 0 : i32
    %dma_start3A_134 = tpu.memref_slice %arg4[%add3A_130, %dma_start3A_133] : memref<32768x384xf32, #tpu.memory_space<hbm>> -> memref<128x384xf32, #tpu.memory_space<hbm>>
    tpu.enqueue_dma source(%arg8 : memref<128x384xf32, #tpu.memory_space<vmem>>) target(%dma_start3A_134 : memref<128x384xf32, #tpu.memory_space<hbm>>) target_semaphore(%arg12 : memref<!tpu.dma_semaphore, #tpu.memory_space<semaphore_mem>>)
    %dma_wait3A_135 = arith.constant 0 : i32
    %dma_wait3A_136 = tpu.memref_slice %arg4[%add3A_121, %dma_wait3A_135] : memref<32768x384xf32, #tpu.memory_space<hbm>> -> memref<128x384xf32, #tpu.memory_space<hbm>>
    %dma_wait3A_137 = arith.constant 0 : i32
    %dma_wait3A_138 = tpu.memref_slice %arg4[%add3A_121, %dma_wait3A_137] : memref<32768x384xf32, #tpu.memory_space<hbm>> -> memref<128x384xf32, #tpu.memory_space<hbm>>
    tpu.wait_dma2 semaphore(%arg11 : memref<!tpu.dma_semaphore, #tpu.memory_space<semaphore_mem>>) src(%arg7 : memref<128x384xf32, #tpu.memory_space<vmem>>) dst(%dma_wait3A_138 : memref<128x384xf32, #tpu.memory_space<hbm>>)
    %dma_wait3A_139 = arith.constant 0 : i32
    %dma_wait3A_140 = tpu.memref_slice %arg4[%add3A_130, %dma_wait3A_139] : memref<32768x384xf32, #tpu.memory_space<hbm>> -> memref<128x384xf32, #tpu.memory_space<hbm>>
    %dma_wait3A_141 = arith.constant 0 : i32
    %dma_wait3A_142 = tpu.memref_slice %arg4[%add3A_130, %dma_wait3A_141] : memref<32768x384xf32, #tpu.memory_space<hbm>> -> memref<128x384xf32, #tpu.memory_space<hbm>>
    tpu.wait_dma2 semaphore(%arg12 : memref<!tpu.dma_semaphore, #tpu.memory_space<semaphore_mem>>) src(%arg8 : memref<128x384xf32, #tpu.memory_space<vmem>>) dst(%dma_wait3A_142 : memref<128x384xf32, #tpu.memory_space<hbm>>)
    return
  }
}

module attributes {stable_mosaic.version = 14 : i64} {
  func.func @_tc_body(%arg0: i32, %arg1: memref<4096x384xf32, #tpu.memory_space<vmem>>, %arg2: memref<512x384xf32, #tpu.memory_space<vmem>>, %arg3: memref<1x512xf32, #tpu.memory_space<vmem>>, %arg4: memref<1x1x4096xi32, #tpu.memory_space<vmem>>, %arg5: memref<1x1xf32, #tpu.memory_space<vmem>>) attributes {dimension_semantics = [#tpu.dimension_semantics<arbitrary>], iteration_bounds = array<i64: 8>, scalar_prefetch = 0 : i64, scratch_operands = 0 : i64, tpu.core_type = #tpu.core_type<tc>, window_params = [{transform_indices = @transform_0, window_bounds = array<i64: 4096, 384>}, {pipeline_mode = #tpu.pipeline_mode<synchronous>, transform_indices = @transform_1, window_bounds = array<i64: 512, 384>}, {pipeline_mode = #tpu.pipeline_mode<synchronous>, transform_indices = @transform_2, window_bounds = array<i64: 1, 512>}, {transform_indices = @transform_3, window_bounds = array<i64: 1, 1, 4096>}, {pipeline_mode = #tpu.pipeline_mode<synchronous>, transform_indices = @transform_4, window_bounds = array<i64: 1, 1>}]} {
    %eq3A = arith.constant 0 : i32
    %eq3A_0 = arith.cmpi eq, %arg0, %eq3A : i32
    %convert_element_type3A = arith.extui %eq3A_0 : i1 to i32
    %cond3A = arith.constant 0 : i32
    %cond3A_1 = arith.cmpi ne, %convert_element_type3A, %cond3A : i32
    scf.if %cond3A_1 {
      %broadcast_in_dim3A_49 = arith.constant 0.000000e+00 : f32
      %broadcast_in_dim3A_50 = vector.broadcast %broadcast_in_dim3A_49 : f32 to vector<1x1xf32>
      %swap3A_51 = arith.constant 0 : index
      %swap3A_52 = arith.constant 0 : index
      %swap3A_53 = vector.load %arg5[%swap3A_51, %swap3A_52] : memref<1x1xf32, #tpu.memory_space<vmem>>, vector<1x1xf32>
      tpu.vector_store %arg5[%swap3A_51, %swap3A_52], %broadcast_in_dim3A_50 {strides = array<i32>} : memref<1x1xf32, #tpu.memory_space<vmem>>, vector<1x1xf32>,
    } else {
    }
    %get3A = arith.constant 0 : index
    %get3A_2 = arith.constant 0 : index
    %get3A_3 = vector.load %arg2[%get3A, %get3A_2] : memref<512x384xf32, #tpu.memory_space<vmem>>, vector<512x384xf32>
    %get3A_4 = arith.constant 0 : index
    %get3A_5 = arith.constant 0 : index
    %get3A_6 = vector.load %arg1[%get3A_4, %get3A_5] : memref<4096x384xf32, #tpu.memory_space<vmem>>, vector<4096x384xf32>
    %mul3A = arith.mulf %get3A_6, %get3A_6 : vector<4096x384xf32>
    %reduce_sum3A = arith.constant dense<0.000000e+00> : vector<4096xf32>
    %reduce_sum3A_7 = vector.multi_reduction <add>, %mul3A, %reduce_sum3A [1] : vector<4096x384xf32> to vector<4096xf32>
    %broadcast_in_dim3A = vector.shape_cast %reduce_sum3A_7 : vector<4096xf32> to vector<4096x1xf32>
    %sqrt3A = math.sqrt %broadcast_in_dim3A : vector<4096x1xf32>
    %max3A = arith.constant 9.99999996E-13 : f32
    %max3A_8 = vector.broadcast %max3A : f32 to vector<4096x1xf32>
    %max3A_9 = arith.maximumf %sqrt3A, %max3A_8 : vector<4096x1xf32>
    %div3A = vector.broadcast %max3A_9 : vector<4096x1xf32> to vector<4096x384xf32>
    %div3A_10 = arith.divf %get3A_6, %div3A : vector<4096x384xf32>
    %mul3A_11 = arith.mulf %div3A_10, %div3A_10 : vector<4096x384xf32>
    %reduce_sum3A_12 = arith.constant dense<0.000000e+00> : vector<4096xf32>
    %reduce_sum3A_13 = vector.multi_reduction <add>, %mul3A_11, %reduce_sum3A_12 [1] : vector<4096x384xf32> to vector<4096xf32>
    %broadcast_in_dim3A_14 = vector.shape_cast %reduce_sum3A_13 : vector<4096xf32> to vector<4096x1xf32>
    %dot_general3A = arith.constant dense<0.000000e+00> : vector<4096x512xf32>
    %dot_general3A_15 = tpu.matmul %div3A_10, %get3A_3, %dot_general3A {dimension_numbers = #tpu.dot_dimension_numbers<[1], [1], [0], [0], [0, 0, 1, 0], [], []>, transpose_lhs_hint = false} : vector<4096x384xf32>, vector<512x384xf32>, vector<4096x512xf32> -> vector<4096x512xf32>
    %get3A_16 = arith.constant 0 : index
    %get3A_17 = arith.constant 0 : index
    %get3A_18 = vector.load %arg3[%get3A_16, %get3A_17] : memref<1x512xf32, #tpu.memory_space<vmem>>, vector<1x512xf32>
    %add3A = vector.broadcast %broadcast_in_dim3A_14 : vector<4096x1xf32> to vector<4096x512xf32>
    %add3A_19 = vector.broadcast %get3A_18 : vector<1x512xf32> to vector<4096x512xf32>
    %add3A_20 = arith.addf %add3A, %add3A_19 : vector<4096x512xf32>
    %mul3A_21 = arith.constant 2.000000e+00 : f32
    %mul3A_22 = vector.broadcast %mul3A_21 : f32 to vector<4096x512xf32>
    %mul3A_23 = arith.mulf %mul3A_22, %dot_general3A_15 : vector<4096x512xf32>
    %sub3A = arith.subf %add3A_20, %mul3A_23 : vector<4096x512xf32>
    %reduce_min3A = arith.constant dense<0x7F800000> : vector<4096xf32>
    %reduce_min3A_24 = vector.multi_reduction <minimumf>, %sub3A, %reduce_min3A [1] : vector<4096x512xf32> to vector<4096xf32>
    %iota3A = tpu.iota {dimensions = array<i32: 1>} : vector<4096x512xi32>
    %broadcast_in_dim3A_25 = vector.shape_cast %reduce_min3A_24 : vector<4096xf32> to vector<4096x1xf32>
    %eq3A_26 = vector.broadcast %broadcast_in_dim3A_25 : vector<4096x1xf32> to vector<4096x512xf32>
    %eq3A_27 = arith.cmpf oeq, %sub3A, %eq3A_26 : vector<4096x512xf32>
    %jit3A = arith.constant 512 : i32
    %broadcast_in_dim3A_28 = vector.broadcast %jit3A : i32 to vector<4096x512xi32>
    %select_n3A = arith.select %eq3A_27, %iota3A, %broadcast_in_dim3A_28 : vector<4096x512xi1>, vector<4096x512xi32>
    %reduce_min3A_29 = arith.constant dense<2147483647> : vector<4096xi32>
    %reduce_min3A_30 = vector.multi_reduction <minsi>, %select_n3A, %reduce_min3A_29 [1] : vector<4096x512xi32> to vector<4096xi32>
    %swap3A = arith.constant 0 : index
    %swap3A_31 = arith.constant 0 : index
    %swap3A_32 = arith.constant 0 : index
    %swap3A_33 = vector.load %arg4[%swap3A, %swap3A_31, %swap3A_32] : memref<1x1x4096xi32, #tpu.memory_space<vmem>>, vector<1x1x4096xi32>
    %swap3A_34 = vector.shape_cast %swap3A_33 : vector<1x1x4096xi32> to vector<4096xi32>
    %swap3A_35 = vector.shape_cast %reduce_min3A_30 : vector<4096xi32> to vector<1x1x4096xi32>
    tpu.vector_store %arg4[%swap3A, %swap3A_31, %swap3A_32], %swap3A_35 {strides = array<i32>} : memref<1x1x4096xi32, #tpu.memory_space<vmem>>, vector<1x1x4096xi32>,
    %get3A_36 = arith.constant 0 : index
    %get3A_37 = arith.constant 0 : index
    %get3A_38 = vector.load %arg5[%get3A_36, %get3A_37] : memref<1x1xf32, #tpu.memory_space<vmem>>, vector<1x1xf32>
    %reduce_sum3A_39 = vector.shape_cast %reduce_min3A_24 : vector<4096xf32> to vector<1x4096xf32>
    %reduce_sum3A_40 = arith.constant dense<0.000000e+00> : vector<1xf32>
    %reduce_sum3A_41 = vector.multi_reduction <add>, %reduce_sum3A_39, %reduce_sum3A_40 [1] : vector<1x4096xf32> to vector<1xf32>
    %reduce_sum3A_42 = vector.shape_cast %reduce_sum3A_41 : vector<1xf32> to vector<1x1xf32>
    %reduce_sum3A_43 = vector.extract %reduce_sum3A_42[0, 0] : f32 from vector<1x1xf32>
    %broadcast_in_dim3A_44 = vector.broadcast %reduce_sum3A_43 : f32 to vector<1x1xf32>
    %add3A_45 = arith.addf %get3A_38, %broadcast_in_dim3A_44 : vector<1x1xf32>
    %swap3A_46 = arith.constant 0 : index
    %swap3A_47 = arith.constant 0 : index
    %swap3A_48 = vector.load %arg5[%swap3A_46, %swap3A_47] : memref<1x1xf32, #tpu.memory_space<vmem>>, vector<1x1xf32>
    tpu.vector_store %arg5[%swap3A_46, %swap3A_47], %add3A_45 {strides = array<i32>} : memref<1x1xf32, #tpu.memory_space<vmem>>, vector<1x1xf32>,
    return
  }
  func.func @transform_0(%arg0: i32) -> (i32, i32) {
    %add3A = arith.constant 0 : i32
    %add3A_0 = arith.addi %add3A, %arg0 : i32
    %c0_i32 = arith.constant 0 : i32
    %c0_i32_1 = arith.constant 0 : i32
    return %add3A_0, %c0_i32 : i32, i32
  }
  func.func @transform_1(%arg0: i32) -> (i32, i32) {
    %c0_i32 = arith.constant 0 : i32
    %c0_i32_0 = arith.constant 0 : i32
    %c0_i32_1 = arith.constant 0 : i32
    return %c0_i32, %c0_i32_0 : i32, i32
  }
  func.func @transform_2(%arg0: i32) -> (i32, i32) {
    %c0_i32 = arith.constant 0 : i32
    %c0_i32_0 = arith.constant 0 : i32
    %c0_i32_1 = arith.constant 0 : i32
    return %c0_i32, %c0_i32_0 : i32, i32
  }
  func.func @transform_3(%arg0: i32) -> (i32, i32, i32) {
    %c0_i32 = arith.constant 0 : i32
    %c0_i32_0 = arith.constant 0 : i32
    %c0_i32_1 = arith.constant 0 : i32
    return %arg0, %c0_i32, %c0_i32_0 : i32, i32, i32
  }
  func.func @transform_4(%arg0: i32) -> (i32, i32) {
    %c0_i32 = arith.constant 0 : i32
    %c0_i32_0 = arith.constant 0 : i32
    %c0_i32_1 = arith.constant 0 : i32
    return %c0_i32, %c0_i32_0 : i32, i32
  }
}

</mosaic_0001>

<sc_bundles>
// kernel: _run.4.cloned.1.call-start
scs
__scs_entry_jumppad:
0x0: {  	(pc) =	sbr.rel $0x88, $3  }
0x1: {  	(tag) =	ssettag $0x0;
	lr =	simm.s32 $0x1  }
0x2: {  	[smem:$0x3F9F] =	sst lr;
	_ =	strace $0xD0000000  }
0x3: {  	_ = 	snop  }
0x4: {  	_ = 	snop  }
0x5: {  	_ = 	snop  }
0x6: {  	_ = 	snop  }
0x7: {  	_ = 	snop  }
__scs_overlays_trampoline_lowered:
0x8: {  	[smem:$0x3FAE] =	sst s0  }
0x9: {  	[smem:$0x3FAF] =	sst s1  }
0xa: {  	[smem:$0x3FB0] =	sst s2  }
0xb: {  	[smem:$0x3FB1] =	sst s3  }
0xc: {  	[smem:$0x3FB2] =	sst s4  }
0xd: {  	[smem:$0x3FB3] =	sst s5  }
0xe: {  	[smem:$0x3FB4] =	sst s6  }
0xf: {  	[smem:$0x3FB5] =	sst s7  }
0x10: {  	[smem:$0x3FB6] =	sst s8  }
0x11: {  	[smem:$0x3FB7] =	sst s9;
	s0 =	simm.s32 @!p0 $0x0  }
0x12: {  	s1 =	sld [smem:$0x3F9D];
	s0 =	simm.s32 @p0 $0x1  }
0x13: {  	[smem:$0x3FB8] =	sst s0;
	s0 =	simm.s32 @!p1 $0x0  }
0x14: {  	s2 =	sld [smem:$0x3F9C];
	s0 =	simm.s32 @p1 $0x1  }
0x15: {  	[smem:$0x3FB9] =	sst s0;
	s0 =	simm.s32 @!p2 $0x0  }
0x16: {  	s3 =	sld [smem:$0x3FDB];
	s0 =	simm.s32 @p2 $0x1  }
0x17: {  	s4 =	simm.s32 $0x1BF5;
	[smem:$0x3FBB] =	sst s0  }
0x18: {  	s0 =	sld [smem:$0x3F9E];
	_ =	swait.ge [sflag:s4], $0x0  }
0x19: {  	s7 =	sld [smem:$0x3F9F]  }
0x1a: {  	s8 =	sadd.s32 $0xFFFFE003, lr  }
0x1b: {  	s9 =	sadd.s32 $0xFFFFFEF7, lr;
	s5 =	simm.s32 $0xFFFFFFFF;
	p2 =	slt.u32 s8, $0xFFFFF086  }
0x1c: {  	p1 =	slt.u32 s9, $0xF7A;
	s5 =	simm.s32 @!p2 $0x0  }
0x1d: {  	s5 =	simm.s32 @p1 $0x1;
	p0 =	seq.s32 s7, s2  }
0x1e: {  	s7 =	smul.u32 @!p0 $0xF7A, s2;
	p2 =	seq.s32 @!p0 s5, $0x0  }
0x1f: {  	s9 =	smul.u32 $0xF7A, s1;
	s8 =	simm.s32 @!p0 $0x1BF5;
	p2 =	por !p2, p0  }
0x20: {  	[sflag:s8] =	ssyncset.s32 @!p0 $0xFFFFF086;
	s6 =	sadd.s32 @!p0 s3, s7;
	s7 =	simm.s32 @!p0 $0x108  }
0x21: {  	s3 =	sadd.s32 s3, s9;
	s6 =	sadd.s32 @!p0 $0x88, s6;
	s7 =	simm.s32 @p2 $0x1082  }
0x22: {  	[simem:s7], [sflag:s8] =	dma.local @!p0 [hbm:s6], $0xF7A  }
0x23: {  	s9 =	sor.u32 $0xD0000000, s2;
	s6 =	simm.s32 $0x108;
	_ =	swait.ge @!p0 [sflag:s8], $0x0  }
0x24: {  	s3 =	sadd.s32 $0x88, s3;
	s6 =	simm.s32 @!p1 $0x1082;
	[sflag:s4] =	ssyncset.s32 $0xFFFFF086  }
0x25: {  	[simem:s6], [sflag:s4] =	dma.local [hbm:s3], $0xF7A  }
0x26: {  	[smem:$0x3F9F] =	sst s1;
	(tag) =	ssettag s2;
	_ =	strace s9  }
0x27: {  	s1 =	sld [smem:$0x3FAF]  }
0x28: {  	s2 =	sld [smem:$0x3FB0]  }
0x29: {  	s4 =	sld [smem:$0x3FB2]  }
0x2a: {  	p0 =	seq.s32 s5, $0x0;
	s5 =	sld [smem:$0x3FB3]  }
0x2b: {  	s6 =	sld [smem:$0x3FB4]  }
0x2c: {  	s7 =	sld [smem:$0x3FB5]  }
0x2d: {  	s3 =	simm.s32 $0x108;
	s8 =	sld [smem:$0x3FB6]  }
0x2e: {  	s3 =	simm.s32 @!p0 $0x1082;
	s9 =	sld [smem:$0x3FB7]  }
0x2f: {  	lr =	sadd.s32 s0, s3;
	s0 =	sld [smem:$0x3FAE]  }
0x30: {  	s3 =	sld [smem:$0x3FB1]  }
0x31: {  	[smem:$0x3FBA] =	sst s10  }
0x32: {  	s10 =	sld [smem:$0x3FB8];
	_ =	sdelay $0x3  }
0x33: {  	p0 =	seq.s32 s10, $0x1;
	s10 =	sld [smem:$0x3FBA];
	_ =	sdelay $0x3  }
0x34: {  	[smem:$0x3FBA] =	sst s10  }
0x35: {  	s10 =	sld [smem:$0x3FB9];
	_ =	sdelay $0x3  }
0x36: {  	p1 =	seq.s32 s10, $0x1;
	s10 =	sld [smem:$0x3FBA];
	_ =	sdelay $0x3  }
0x37: {  	[smem:$0x3FBA] =	sst s10  }
0x38: {  	s10 =	sld [smem:$0x3FBB]  }
0x39: {  	_ = 	snop;
	(pc) =	sbr.ind lr, $3  }
0x3a: {  	_ = 	snop  }
0x3b: {  	_ = 	snop  }
0x3c: {  	p2 =	seq.s32 s10, $0x1;
	s10 =	sld [smem:$0x3FBA]  }
0x3d: {  	_ =	shalt  }
0x3e: {  	_ =	shalt  }
0x3f: {  	_ =	shalt  }
0x40: {  	_ =	shalt  }
0x41: {  	_ =	shalt  }
0x42: {  	_ =	shalt  }
0x43: {  	_ =	shalt  }
0x44: {  	_ =	shalt  }
0x45: {  	_ =	shalt  }
0x46: {  	_ =	shalt  }
0x47: {  	_ =	shalt  }
0x48: {  	_ =	shalt  }
0x49: {  	_ =	shalt  }
0x4a: {  	_ =	shalt  }
0x4b: {  	_ =	shalt  }
0x4c: {  	_ =	shalt  }
0x4d: {  	_ =	shalt  }
0x4e: {  	_ =	shalt  }
0x4f: {  	_ =	shalt  }
0x50: {  	_ =	shalt  }
0x51: {  	_ =	shalt  }
0x52: {  	_ =	shalt  }
0x53: {  	_ =	shalt  }
0x54: {  	_ =	shalt  }
0x55: {  	_ =	shalt  }
0x56: {  	_ =	shalt  }
0x57: {  	_ =	shalt  }
0x58: {  	_ =	shalt  }
0x59: {  	_ =	shalt  }
0x5a: {  	_ =	shalt  }
0x5b: {  	_ =	shalt  }
0x5c: {  	_ =	shalt  }
0x5d: {  	_ =	shalt  }
0x5e: {  	_ =	shalt  }
0x5f: {  	_ =	shalt  }
0x60: {  	_ =	shalt  }
0x61: {  	_ =	shalt  }
0x62: {  	_ =	shalt  }
0x63: {  	_ =	shalt  }
0x64: {  	_ =	shalt  }
0x65: {  	_ =	shalt  }
0x66: {  	_ =	shalt  }
0x67: {  	_ =	shalt  }
0x68: {  	_ =	shalt  }
0x69: {  	_ =	shalt  }
0x6a: {  	_ =	shalt  }
0x6b: {  	_ =	shalt  }
0x6c: {  	_ =	shalt  }
0x6d: {  	_ =	shalt  }
0x6e: {  	_ =	shalt  }
0x6f: {  	_ =	shalt  }
0x70: {  	_ =	shalt  }
0x71: {  	_ =	shalt  }
0x72: {  	_ =	shalt  }
0x73: {  	_ =	shalt  }
0x74: {  	_ =	shalt  }
0x75: {  	_ =	shalt  }
0x76: {  	_ =	shalt  }
0x77: {  	_ =	shalt  }
0x78: {  	_ =	shalt  }
0x79: {  	_ =	shalt  }
0x7a: {  	_ =	shalt  }
0x7b: {  	_ =	shalt  }
0x7c: {  	_ =	shalt  }
0x7d: {  	_ =	shalt  }
0x7e: {  	_ =	shalt  }
0x7f: {  	_ =	shalt  }
0x80: {  	_ =	shalt  }
0x81: {  	_ =	shalt  }
0x82: {  	_ =	shalt  }
0x83: {  	_ =	shalt  }
0x84: {  	_ =	shalt  }
0x85: {  	_ =	shalt  }
0x86: {  	_ =	shalt  }
0x87: {  	_ =	shalt  }
.Lfunc_end0:
.L_simem_size_0:
called_computation_lowered:
.L_overlay_start_0:
0x88: {  	s2 =	sld [smem:$0x3FD9]  }
0x89: {  	s3 =	sld [smem:$0x3FFE];
	_ =	sdelay $0x1  }
0x8a: {  	s1 =	srdreg.scid  }
0x8b: {  	s0 =	sand.u32 $0x1, s1  }
0x8c: {  	s14 =	sshll.u32 s0, $0xA;
	s2 =	sadd.s32 s3, s2  }
0x8d: {  	s2 =	sadd.s32 s2, s14  }
0x8e: {  	[smem:$0x3FC6] =	sst s2  }
0x8f: {  	_ = 	snop  }
0x90: {  	s2 =	sld [smem:$0x3FD0];
	_ =	sdelay $0x2  }
0x91: {  	s15 =	simm.s32 $0xA;
	s4 =	simm.s32 $0x10  }
0x92: {  	[smem:s4], [sflag:s15] =	dma.local [hbm:s2], $0x1  }
0x93: {  	_ =	swait.eq [sflag:s15], $0x1  }
0x94: {  	[sflag:s15] =	ssyncset.done $0x0  }
0x95: {  	s16 =	sld [smem:$0x10];
	[sflag:s15] =	ssyncadd.s32 $0xFFFFFFFF  }
0x96: {  	s17 =	sld [smem:$0x11];
	(tm) =	ssettm $0x1  }
0x97: {  	s18 =	sld [smem:$0x3FFB];
	_ =	sdelay $0x3  }
0x98: {  	_ =	strace s18  }
0x99: {  	s4 =	sld [smem:$0x3FFC];
	_ =	sdelay $0x3  }
0x9a: {  	_ =	strace s4  }
0x9b: {  	s4 =	sld [smem:$0x3FFD];
	_ =	sdelay $0x3  }
0x9c: {  	_ =	strace s4  }
0x9d: {  	_ =	strace $0x8FFFFFFF  }
0x9e: {  	s19 =	sld [smem:$0x3FDB];
	_ =	sdelay $0x1  }
0x9f: {  	s5 =	simm.s32 $_scs_section_size  }
0xa0: {  	s6 =	simm.s32 $_size__tile_overlayer_lowered;
	s7 =	simm.s32 $_tile_overlayer_lowered  }
0xa1: {  	s22 =	simm.s32 $0x1BFF;
	s21 =	sshll.u32 s7, $0x1;
	s4 =	sadd.s32 s5, s19  }
0xa2: {  	s8 =	simm.s32 $0x0;
	s20 =	sshll.u32 s6, $0x1;
	s6 =	sadd.s32 s21, s4  }
0xa3: {  	[timem:s8], [sflag:s22] =	dma.local [hbm:s6], s20  }
0xa4: {  	_ =	swait.ge [sflag:s22], s20  }
0xa5: {  	s5 =	ssub.s32 $0x0, s20;
	[sflag:s22] =	ssyncset.done $0x0  }
0xa6: {  	[sflag:s22] =	ssyncadd.s32 s5;
	_ =	sdelay $0x1  }
0xa7: {  	s23 =	simm.s32 $0x1B8B  }
0xa8: {  	_ =	swait.ge [sflag:s23], $0x1  }
0xa9: {  	[sflag:s23] =	ssyncset.done $0x0  }
0xaa: {  	s25 =	simm.s32 $0x1B8E;
	s24 =	sld [smem:$0x3FFE];
	[sflag:s23] =	ssyncadd.s32 $0xFFFFFFFF  }
0xab: {  	s26 =	simm.s32 $execute0_lowered;
	[smem:$0x3FD2] =	sst s25  }
0xac: {  	s6 =	sshll.u32 s26, $0x1;
	_ =	strace $0x80000046;
	[dreg:$0x1] =	wrdreg $0xFFFFFFFF  }
0xad: {  	s28 =	simm.s32 $_size_execute0_lowered;
	s4 =	sadd.s32 s4, s6;
	[dreg:$0x0] =	wrdreg $0x0  }
0xae: {  	s6 =	sshll.u32 s28, $0x1;
	[dreg:$0x2] =	wrdreg s4  }
0xaf: {  	[dreg:$0x3] =	wrdreg s6  }
0xb0: {  	[dreg:$0x4] =	wrdreg $0xC0  }
0xb1: {  	_ =	task [dreg:s8], $0x5FFFF  }
0xb2: {  	[dreg:$0x1] =	wrdreg $0xFFFFFFFF  }
0xb3: {  	[dreg:$0x0] =	wrdreg $0x60  }
0xb4: {  	[dreg:$0x2] =	wrdreg s24  }
0xb5: {  	[dreg:$0x3] =	wrdreg s17  }
0xb6: {  	[dreg:$0x4] =	wrdreg s16  }
0xb7: {  	[dreg:$0x5] =	wrdreg $0x9  }
0xb8: {  	_ =	task.clear_ibuf [dreg:s8], $0x6FFFF;
	_ =	strace $0x90000046  }
0xb9: {  	s29 =	simm.s32 $0x9;
	_ =	strace $0x80000048  }
0xba: {  	_ =	swait.ge [sflag:s29], $0x1  }
0xbb: {  	[sflag:s29] =	ssyncadd.s32 $0xFFFFFFFF  }
0xbc: {  	_ =	strace $0x90000048  }
0xbd: {  	_ =	sfence  }
0xbe: {  	s30 =	sld [smem:$0x0];
	_ =	sdelay $0x2  }
0xbf: {  	s31 =	sshll.u32 s1, $0xD;
	s1 =	sshrl.u32 s1, $0x2  }
0xc0: {  	s3 =	sand.u32 $0x4000, s31;
	s1 =	sadd.s32 s1, s30  }
0xc1: {  	s0 =	sor.u32 s3, s0;
	s1 =	sshll.u32 s1, $0x11  }
0xc2: {  	s0 =	sor.u32 s1, s0  }
0xc3: {  	s0 =	sadd.s32 $0x8F2B, s0  }
0xc4: {  	[sflag:s0] =	ssyncadd.remote.s32 $0x1  }
0xc5: {  	_ =	sfence.sel $0xFFFF  }
0xc6: {  	[dreg:$0x0] =	wrdreg $0xFFFFFFFF;
	(pc) =	sbr.abs _section_cstart, $3  }
0xc7: {  	[dreg:$0x1] =	wrdreg $0xFFFFFFFF  }
0xc8: {  	_ =	task.clear_ibuf [dreg:s8], $0x2FFFF;
	_ =	strace $0x9FFFFFFF  }
0xc9: {  	(tm) =	ssettm $0x7FFFFFFF  }
tec
execute0_lowered:
.L_overlay_start_1:
0x0: {  	(tag) =	ssettag $0x1  }
0x1: {  	s1 =	rddreg [dreg:$0x0]  }
0x2: {  	s0 =	rddreg [dreg:$0x1];
	s4 =	srdreg.scid  }
0x3: {  	s2 =	rddreg [dreg:$0x2];
	s5 =	stileid.u32;
	s4 =	sand.u32 $0x1, s4  }
0x4: {  	s3 =	simm.s32 $0x0;
	s5 =	sshll.u32 s5, $0x8;
	s6 =	sshll.u32 s4, $0x7  }
0x5: {  	[smem:$0x7FF] =	sst s3;
	s4 =	ssub.s32 $0x2, s4;
	s5 =	sor.u32 s6, s5  }
0x6: {  	_ =	strace $0x80000047;
	s9 =	sshrl.u32 s4, $0x1;
	s6 =	sadd.s32 s0, s5  }
0x7: {  	s7 =	sor.u32 $0x10, s5;
	s8 =	smul.u32 $0x180, s5;
	s12 =	sor.u32 $0x20, s5  }
0x8: {  	s15 =	sor.u32 $0x30, s5;
	s18 =	sor.u32 $0x40, s5;
	s21 =	sor.u32 $0x50, s5  }
0x9: {  	s24 =	sor.u32 $0x60, s5;
	[dreg:$0x4] =	wrdreg s6;
	s10 =	sadd.s32 s0, s7  }
0xa: {  	s5 =	sor.u32 $0x70, s5;
	s13 =	sadd.s32 s0, s12;
	[dreg:$0x5] =	wrdreg s10  }
0xb: {  	s29 =	ssub.s32 s4, s9;
	s16 =	sadd.s32 s0, s15;
	[dreg:$0x7] =	wrdreg s13  }
0xc: {  	s4 =	sadd.s32 $0x100, s1;
	s19 =	sadd.s32 s0, s18;
	[dreg:$0x9] =	wrdreg s16  }
0xd: {  	s7 =	smul.u32 $0x180, s7;
	s22 =	sadd.s32 s0, s21;
	[dreg:$0xb] =	wrdreg s19  }
0xe: {  	s25 =	sadd.s32 s0, s24;
	s28 =	smul.u32 $0x180, s24;
	[dreg:$0xd] =	wrdreg s22  }
0xf: {  	s0 =	sadd.s32 s0, s5;
	s5 =	smul.u32 $0x180, s5;
	[dreg:$0xf] =	wrdreg s25  }
0x10: {  	s6 =	simm.s32 $0x5;
	s11 =	sadd.s32 s2, s8;
	[dreg:$0x11] =	wrdreg s0  }
0x11: {  	s24 =	simm.s32 $0x3;
	[dreg:$0x6] =	wrdreg s11;
	s14 =	sadd.s32 s2, s7  }
0x12: {  	s8 =	smul.u32 $0x180, s12;
	s30 =	sadd.s32 s2, s28;
	[dreg:$0x8] =	wrdreg s14  }
0x13: {  	s7 =	smul.u32 $0x180, s15;
	s31 =	sadd.s32 s2, s5;
	[dreg:$0x12] =	wrdreg s30  }
0x14: {  	s17 =	sadd.s32 s2, s8;
	s8 =	smul.u32 $0x180, s18;
	[dreg:$0x13] =	wrdreg s31  }
0x15: {  	[dreg:$0xa] =	wrdreg s17;
	s20 =	sadd.s32 s2, s7;
	s7 =	smul.u32 $0x180, s21  }
0x16: {  	v2 =	vlaneseq.u32;
	s25 =	simm.s32 $0x2;
	[dreg:$0xc] =	wrdreg s20;
	s23 =	sadd.s32 s2, s8  }
0x17: {  	vm0 =	vmmov $0xffff;
	vm1 =	vmmov $0xff;
	v1 =	vshrl.u32 v2, $0x3;
	s5 =	smax.u32 s29, $0x1;
	[dreg:$0xe] =	wrdreg s23;
	s26 =	sadd.s32 s2, s7  }
0x18: {  	v0 =	vand.u32 $0x7, v2;
	v2 =	vor.u32 $0x8, v2;
	v1 =	vmul.u32 $0x8, v1;
	s23 =	simm.s32 $0x1;
	[dreg:$0x10] =	wrdreg s26;
	s26 =	simm.s32 $0x4  }
.LBB2_1:
0x19: {  	s28 =	rddreg [dreg:$0x4]  }
0x1a: {  	[tilespmem:s3], [sflag:$0x5] =	stream.linear.gather [hbm4b:s28+s3], $0x80, $0x38;
	[tilespmem:$0x18100] =	vst v63  }
0x1b: {  	_ =	swait.ge [sflag:s6], $0x80  }
0x1c: {  	[sflag:s6] =	ssyncset.done $0x0  }
0x1d: {  	[sflag:s6] =	ssyncadd.s32 $0xFFFFFF80  }
0x1e: {  	v3 =	vld [tilespmem:$0x0];
	_ =	sdelay $0x4  }
0x1f: {  	v4 =	vshrl.u32 v3, $0x3  }
0x20: {  	v4 =	vmul.u32 $0x18, v4  }
0x21: {  	v3 =	vand.u32 $0x7, v3  }
0x22: {  	v3 =	vor.u32 v3, v4  }
0x23: {  	v4 =	vperm.xlane v3, v0;
	_ =	sdelay $0x1  }
0x24: {  	v4 =	vadd.s32 v1, v4;
	_ =	sdelay $0x1  }
0x25: {  	v3 =	vperm.xlane v3, v2;
	_ =	sdelay $0x1  }
0x26: {  	s0 =	simm.s32 $0x100;
	v3 =	vadd.s32 v1, v3  }
0x27: {  	[tilespmem:s0], [sflag:$0x1] =	stream.indirect_vreg.gather [hbm4b:s1+s3], $0x80, v4, vm0, $0xb8;
	[tilespmem:$0x18100] =	vst v63  }
0x28: {  	s2 =	simm.s32 $0x900  }
0x29: {  	[tilespmem:s2], [sflag:$0x1] =	stream.indirect_vreg.gather [hbm4b:s4+s3], $0x80, v4, vm1, $0xb8;
	[tilespmem:$0x18100] =	vst v63  }
0x2a: {  	s21 =	simm.s32 $0xD00  }
0x2b: {  	[tilespmem:s21], [sflag:$0x1] =	stream.indirect_vreg.gather [hbm4b:s1+s3], $0x80, v3, vm0, $0xb8;
	[tilespmem:$0x18100] =	vst v63  }
0x2c: {  	s22 =	simm.s32 $0x1500  }
0x2d: {  	[tilespmem:s22], [sflag:$0x1] =	stream.indirect_vreg.gather [hbm4b:s4+s3], $0x80, v3, vm1, $0xb8;
	[tilespmem:$0x18100] =	vst v63  }
0x2e: {  	v3 =	vld [tilespmem:$0x10];
	_ =	sdelay $0x4  }
0x2f: {  	v57 =	vshrl.u32 v3, $0x3  }
0x30: {  	v4 =	vmul.u32 $0x18, v57  }
0x31: {  	v3 =	vand.u32 $0x7, v3  }
0x32: {  	v3 =	vor.u32 v3, v4  }
0x33: {  	v4 =	vperm.xlane v3, v0;
	_ =	sdelay $0x1  }
0x34: {  	v4 =	vadd.s32 v1, v4;
	_ =	sdelay $0x1  }
0x35: {  	v3 =	vperm.xlane v3, v2;
	_ =	sdelay $0x1  }
0x36: {  	s28 =	simm.s32 $0x1900;
	v3 =	vadd.s32 v1, v3  }
0x37: {  	[tilespmem:s28], [sflag:$0x1] =	stream.indirect_vreg.gather [hbm4b:s1+s3], $0x80, v4, vm0, $0xb8;
	[tilespmem:$0x18100] =	vst v63  }
0x38: {  	s29 =	simm.s32 $0x2100  }
0x39: {  	[tilespmem:s29], [sflag:$0x1] =	stream.indirect_vreg.gather [hbm4b:s4+s3], $0x80, v4, vm1, $0xb8;
	[tilespmem:$0x18100] =	vst v63  }
0x3a: {  	s30 =	simm.s32 $0x2500  }
0x3b: {  	[tilespmem:s30], [sflag:$0x1] =	stream.indirect_vreg.gather [hbm4b:s1+s3], $0x80, v3, vm0, $0xb8;
	[tilespmem:$0x18100] =	vst v63  }
0x3c: {  	s31 =	simm.s32 $0x2D00  }
0x3d: {  	[tilespmem:s31], [sflag:$0x1] =	stream.indirect_vreg.gather [hbm4b:s4+s3], $0x80, v3, vm1, $0xb8;
	[tilespmem:$0x18100] =	vst v63  }
0x3e: {  	v3 =	vld [tilespmem:$0x20];
	_ =	sdelay $0x4  }
0x3f: {  	v58 =	vshrl.u32 v3, $0x3  }
0x40: {  	v4 =	vmul.u32 $0x18, v58  }
0x41: {  	v3 =	vand.u32 $0x7, v3  }
0x42: {  	v3 =	vor.u32 v3, v4  }
0x43: {  	v4 =	vperm.xlane v3, v0;
	_ =	sdelay $0x1  }
0x44: {  	v4 =	vadd.s32 v1, v4;
	_ =	sdelay $0x1  }
0x45: {  	v3 =	vperm.xlane v3, v2;
	_ =	sdelay $0x1  }
0x46: {  	s0 =	simm.s32 $0x3100;
	v3 =	vadd.s32 v1, v3  }
0x47: {  	[tilespmem:s0], [sflag:$0x1] =	stream.indirect_vreg.gather [hbm4b:s1+s3], $0x80, v4, vm0, $0xb8;
	[tilespmem:$0x18100] =	vst v63  }
0x48: {  	s9 =	simm.s32 $0x3900  }
0x49: {  	[tilespmem:s9], [sflag:$0x1] =	stream.indirect_vreg.gather [hbm4b:s4+s3], $0x80, v4, vm1, $0xb8;
	[tilespmem:$0x18100] =	vst v63  }
0x4a: {  	s10 =	simm.s32 $0x3D00  }
0x4b: {  	[tilespmem:s10], [sflag:$0x1] =	stream.indirect_vreg.gather [hbm4b:s1+s3], $0x80, v3, vm0, $0xb8;
	[tilespmem:$0x18100] =	vst v63  }
0x4c: {  	s11 =	simm.s32 $0x4500  }
0x4d: {  	[tilespmem:s11], [sflag:$0x1] =	stream.indirect_vreg.gather [hbm4b:s4+s3], $0x80, v3, vm1, $0xb8;
	[tilespmem:$0x18100] =	vst v63  }
0x4e: {  	v3 =	vld [tilespmem:$0x30];
	_ =	sdelay $0x4  }
0x4f: {  	v59 =	vshrl.u32 v3, $0x3  }
0x50: {  	v4 =	vmul.u32 $0x18, v59  }
0x51: {  	v3 =	vand.u32 $0x7, v3  }
0x52: {  	v3 =	vor.u32 v3, v4  }
0x53: {  	v4 =	vperm.xlane v3, v0;
	_ =	sdelay $0x1  }
0x54: {  	v4 =	vadd.s32 v1, v4;
	_ =	sdelay $0x1  }
0x55: {  	v3 =	vperm.xlane v3, v2;
	_ =	sdelay $0x1  }
0x56: {  	s12 =	simm.s32 $0x4900;
	v3 =	vadd.s32 v1, v3  }
0x57: {  	[tilespmem:s12], [sflag:$0x1] =	stream.indirect_vreg.gather [hbm4b:s1+s3], $0x80, v4, vm0, $0xb8;
	[tilespmem:$0x18100] =	vst v63  }
0x58: {  	s13 =	simm.s32 $0x5100  }
0x59: {  	[tilespmem:s13], [sflag:$0x1] =	stream.indirect_vreg.gather [hbm4b:s4+s3], $0x80, v4, vm1, $0xb8;
	[tilespmem:$0x18100] =	vst v63  }
0x5a: {  	s14 =	simm.s32 $0x5500  }
0x5b: {  	[tilespmem:s14], [sflag:$0x1] =	stream.indirect_vreg.gather [hbm4b:s1+s3], $0x80, v3, vm0, $0xb8;
	[tilespmem:$0x18100] =	vst v63  }
0x5c: {  	s15 =	simm.s32 $0x5D00  }
0x5d: {  	[tilespmem:s15], [sflag:$0x1] =	stream.indirect_vreg.gather [hbm4b:s4+s3], $0x80, v3, vm1, $0xb8;
	[tilespmem:$0x18100] =	vst v63  }
0x5e: {  	v3 =	vld [tilespmem:$0x40];
	_ =	sdelay $0x4  }
0x5f: {  	v60 =	vshrl.u32 v3, $0x3  }
0x60: {  	v4 =	vmul.u32 $0x18, v60  }
0x61: {  	v3 =	vand.u32 $0x7, v3  }
0x62: {  	v3 =	vor.u32 v3, v4  }
0x63: {  	v4 =	vperm.xlane v3, v0;
	_ =	sdelay $0x1  }
0x64: {  	v4 =	vadd.s32 v1, v4;
	_ =	sdelay $0x1  }
0x65: {  	v3 =	vperm.xlane v3, v2;
	_ =	sdelay $0x1  }
0x66: {  	s16 =	simm.s32 $0x6100;
	v3 =	vadd.s32 v1, v3  }
0x67: {  	[tilespmem:s16], [sflag:$0x1] =	stream.indirect_vreg.gather [hbm4b:s1+s3], $0x80, v4, vm0, $0xb8;
	[tilespmem:$0x18100] =	vst v63  }
0x68: {  	s17 =	simm.s32 $0x6900  }
0x69: {  	[tilespmem:s17], [sflag:$0x1] =	stream.indirect_vreg.gather [hbm4b:s4+s3], $0x80, v4, vm1, $0xb8;
	[tilespmem:$0x18100] =	vst v63  }
0x6a: {  	s18 =	simm.s32 $0x6D00  }
0x6b: {  	[tilespmem:s18], [sflag:$0x1] =	stream.indirect_vreg.gather [hbm4b:s1+s3], $0x80, v3, vm0, $0xb8;
	[tilespmem:$0x18100] =	vst v63  }
0x6c: {  	s19 =	simm.s32 $0x7500  }
0x6d: {  	[tilespmem:s19], [sflag:$0x1] =	stream.indirect_vreg.gather [hbm4b:s4+s3], $0x80, v3, vm1, $0xb8;
	[tilespmem:$0x18100] =	vst v63  }
0x6e: {  	v3 =	vld [tilespmem:$0x50];
	_ =	sdelay $0x4  }
0x6f: {  	v61 =	vshrl.u32 v3, $0x3  }
0x70: {  	v4 =	vmul.u32 $0x18, v61  }
0x71: {  	v3 =	vand.u32 $0x7, v3  }
0x72: {  	v3 =	vor.u32 v3, v4  }
0x73: {  	v4 =	vperm.xlane v3, v0;
	_ =	sdelay $0x1  }
0x74: {  	v4 =	vadd.s32 v1, v4;
	_ =	sdelay $0x1  }
0x75: {  	v3 =	vperm.xlane v3, v2;
	_ =	sdelay $0x1  }
0x76: {  	s20 =	simm.s32 $0x7900;
	v3 =	vadd.s32 v1, v3  }
0x77: {  	[tilespmem:s20], [sflag:$0x1] =	stream.indirect_vreg.gather [hbm4b:s1+s3], $0x80, v4, vm0, $0xb8;
	[tilespmem:$0x18100] =	vst v63  }
0x78: {  	s21 =	simm.s32 $0x8100  }
0x79: {  	[tilespmem:s21], [sflag:$0x1] =	stream.indirect_vreg.gather [hbm4b:s4+s3], $0x80, v4, vm1, $0xb8;
	[tilespmem:$0x18100] =	vst v63  }
0x7a: {  	s22 =	simm.s32 $0x8500  }
0x7b: {  	[tilespmem:s22], [sflag:$0x1] =	stream.indirect_vreg.gather [hbm4b:s1+s3], $0x80, v3, vm0, $0xb8;
	[tilespmem:$0x18100] =	vst v63  }
0x7c: {  	s28 =	simm.s32 $0x8D00  }
0x7d: {  	[tilespmem:s28], [sflag:$0x1] =	stream.indirect_vreg.gather [hbm4b:s4+s3], $0x80, v3, vm1, $0xb8;
	[tilespmem:$0x18100] =	vst v63  }
0x7e: {  	v3 =	vld [tilespmem:$0x60];
	_ =	sdelay $0x4  }
0x7f: {  	v62 =	vshrl.u32 v3, $0x3  }
0x80: {  	v4 =	vmul.u32 $0x18, v62  }
0x81: {  	v3 =	vand.u32 $0x7, v3  }
0x82: {  	v3 =	vor.u32 v3, v4  }
0x83: {  	v4 =	vperm.xlane v3, v0;
	_ =	sdelay $0x1  }
0x84: {  	v4 =	vadd.s32 v1, v4;
	_ =	sdelay $0x1  }
0x85: {  	v3 =	vperm.xlane v3, v2;
	_ =	sdelay $0x1  }
0x86: {  	s29 =	simm.s32 $0x9100;
	v3 =	vadd.s32 v1, v3  }
0x87: {  	[tilespmem:s29], [sflag:$0x1] =	stream.indirect_vreg.gather [hbm4b:s1+s3], $0x80, v4, vm0, $0xb8;
	[tilespmem:$0x18100] =	vst v63  }
0x88: {  	s30 =	simm.s32 $0x9900  }
0x89: {  	[tilespmem:s30], [sflag:$0x1] =	stream.indirect_vreg.gather [hbm4b:s4+s3], $0x80, v4, vm1, $0xb8;
	[tilespmem:$0x18100] =	vst v63  }
0x8a: {  	s31 =	simm.s32 $0x9D00  }
0x8b: {  	[tilespmem:s31], [sflag:$0x1] =	stream.indirect_vreg.gather [hbm4b:s1+s3], $0x80, v3, vm0, $0xb8;
	[tilespmem:$0x18100] =	vst v63  }
0x8c: {  	s0 =	simm.s32 $0xA500  }
0x8d: {  	[tilespmem:s0], [sflag:$0x1] =	stream.indirect_vreg.gather [hbm4b:s4+s3], $0x80, v3, vm1, $0xb8;
	[tilespmem:$0x18100] =	vst v63  }
0x8e: {  	v3 =	vld [tilespmem:$0x70];
	_ =	sdelay $0x4  }
0x8f: {  	v63 =	vshrl.u32 v3, $0x3  }
0x90: {  	v4 =	vmul.u32 $0x18, v63  }
0x91: {  	v3 =	vand.u32 $0x7, v3  }
0x92: {  	v3 =	vor.u32 v3, v4  }
0x93: {  	v4 =	vperm.xlane v3, v0;
	_ =	sdelay $0x1  }
0x94: {  	v4 =	vadd.s32 v1, v4;
	_ =	sdelay $0x1  }
0x95: {  	v3 =	vperm.xlane v3, v2;
	_ =	sdelay $0x1  }
0x96: {  	s12 =	simm.s32 $0xA900;
	v3 =	vadd.s32 v1, v3  }
0x97: {  	[tilespmem:s12], [sflag:$0x1] =	stream.indirect_vreg.gather [hbm4b:s1+s3], $0x80, v4, vm0, $0xb8;
	[tilespmem:$0x18100] =	vst v63  }
0x98: {  	s13 =	simm.s32 $0xB100  }
0x99: {  	[tilespmem:s13], [sflag:$0x1] =	stream.indirect_vreg.gather [hbm4b:s4+s3], $0x80, v4, vm1, $0xb8;
	[tilespmem:$0x18100] =	vst v63  }
0x9a: {  	s15 =	simm.s32 $0xB500  }
0x9b: {  	[tilespmem:s15], [sflag:$0x1] =	stream.indirect_vreg.gather [hbm4b:s1+s3], $0x80, v3, vm0, $0xb8;
	[tilespmem:$0x18100] =	vst v63  }
0x9c: {  	s17 =	simm.s32 $0xBD00  }
0x9d: {  	[tilespmem:s17], [sflag:$0x1] =	stream.indirect_vreg.gather [hbm4b:s4+s3], $0x80, v3, vm1, $0xb8;
	[tilespmem:$0x18100] =	vst v63  }
0x9e: {  	s16 =	rddreg [dreg:$0x5];
	s18 =	simm.s32 $0x80  }
0x9f: {  	[tilespmem:s18], [sflag:$0x5] =	stream.linear.gather [hbm4b:s16+s3], $0x80, $0x38;
	[tilespmem:$0x18100] =	vst v63  }
0xa0: {  	_ =	swait.ge [sflag:s6], $0x80  }
0xa1: {  	[sflag:s6] =	ssyncset.done $0x0  }
0xa2: {  	[sflag:s6] =	ssyncadd.s32 $0xFFFFFF80  }
0xa3: {  	v3 =	vld [tilespmem:$0x80];
	_ =	sdelay $0x4  }
0xa4: {  	v8 =	vshrl.u32 v3, $0x3  }
0xa5: {  	v4 =	vmul.u32 $0x18, v8  }
0xa6: {  	v3 =	vand.u32 $0x7, v3  }
0xa7: {  	v3 =	vor.u32 v3, v4  }
0xa8: {  	v4 =	vperm.xlane v3, v0;
	_ =	sdelay $0x1  }
0xa9: {  	v4 =	vadd.s32 v1, v4;
	_ =	sdelay $0x1  }
0xaa: {  	v3 =	vperm.xlane v3, v2;
	_ =	sdelay $0x1  }
0xab: {  	s19 =	simm.s32 $0xC100;
	v3 =	vadd.s32 v1, v3  }
0xac: {  	[tilespmem:s19], [sflag:$0x2] =	stream.indirect_vreg.gather [hbm4b:s1+s3], $0x80, v4, vm0, $0xb8;
	[tilespmem:$0x18100] =	vst v63  }
0xad: {  	s20 =	simm.s32 $0xC900  }
0xae: {  	[tilespmem:s20], [sflag:$0x2] =	stream.indirect_vreg.gather [hbm4b:s4+s3], $0x80, v4, vm1, $0xb8;
	[tilespmem:$0x18100] =	vst v63  }
0xaf: {  	s21 =	simm.s32 $0xCD00  }
0xb0: {  	[tilespmem:s21], [sflag:$0x2] =	stream.indirect_vreg.gather [hbm4b:s1+s3], $0x80, v3, vm0, $0xb8;
	[tilespmem:$0x18100] =	vst v63  }
0xb1: {  	s22 =	simm.s32 $0xD500  }
0xb2: {  	[tilespmem:s22], [sflag:$0x2] =	stream.indirect_vreg.gather [hbm4b:s4+s3], $0x80, v3, vm1, $0xb8;
	[tilespmem:$0x18100] =	vst v63  }
0xb3: {  	v3 =	vld [tilespmem:$0x90];
	_ =	sdelay $0x4  }
0xb4: {  	v9 =	vshrl.u32 v3, $0x3  }
0xb5: {  	v4 =	vmul.u32 $0x18, v9  }
0xb6: {  	v3 =	vand.u32 $0x7, v3  }
0xb7: {  	v3 =	vor.u32 v3, v4  }
0xb8: {  	v4 =	vperm.xlane v3, v0;
	_ =	sdelay $0x1  }
0xb9: {  	v4 =	vadd.s32 v1, v4;
	_ =	sdelay $0x1  }
0xba: {  	v3 =	vperm.xlane v3, v2;
	_ =	sdelay $0x1  }
0xbb: {  	s29 =	simm.s32 $0xD900;
	v3 =	vadd.s32 v1, v3  }
0xbc: {  	[tilespmem:s29], [sflag:$0x2] =	stream.indirect_vreg.gather [hbm4b:s1+s3], $0x80, v4, vm0, $0xb8;
	[tilespmem:$0x18100] =	vst v63  }
0xbd: {  	s30 =	simm.s32 $0xE100  }
0xbe: {  	[tilespmem:s30], [sflag:$0x2] =	stream.indirect_vreg.gather [hbm4b:s4+s3], $0x80, v4, vm1, $0xb8;
	[tilespmem:$0x18100] =	vst v63  }
0xbf: {  	s31 =	simm.s32 $0xE500  }
0xc0: {  	[tilespmem:s31], [sflag:$0x2] =	stream.indirect_vreg.gather [hbm4b:s1+s3], $0x80, v3, vm0, $0xb8;
	[tilespmem:$0x18100] =	vst v63  }
0xc1: {  	s0 =	simm.s32 $0xED00  }
0xc2: {  	[tilespmem:s0], [sflag:$0x2] =	stream.indirect_vreg.gather [hbm4b:s4+s3], $0x80, v3, vm1, $0xb8;
	[tilespmem:$0x18100] =	vst v63  }
0xc3: {  	v3 =	vld [tilespmem:$0xA0];
	_ =	sdelay $0x4  }
0xc4: {  	v10 =	vshrl.u32 v3, $0x3  }
0xc5: {  	v4 =	vmul.u32 $0x18, v10  }
0xc6: {  	v3 =	vand.u32 $0x7, v3  }
0xc7: {  	v3 =	vor.u32 v3, v4  }
0xc8: {  	v4 =	vperm.xlane v3, v0;
	_ =	sdelay $0x1  }
0xc9: {  	v4 =	vadd.s32 v1, v4;
	_ =	sdelay $0x1  }
0xca: {  	v3 =	vperm.xlane v3, v2;
	_ =	sdelay $0x1  }
0xcb: {  	s2 =	simm.s32 $0xF100;
	v3 =	vadd.s32 v1, v3  }
0xcc: {  	[tilespmem:s2], [sflag:$0x2] =	stream.indirect_vreg.gather [hbm4b:s1+s3], $0x80, v4, vm0, $0xb8;
	[tilespmem:$0x18100] =	vst v63  }
0xcd: {  	s12 =	simm.s32 $0xF900  }
0xce: {  	[tilespmem:s12], [sflag:$0x2] =	stream.indirect_vreg.gather [hbm4b:s4+s3], $0x80, v4, vm1, $0xb8;
	[tilespmem:$0x18100] =	vst v63  }
0xcf: {  	s13 =	simm.s32 $0xFD00  }
0xd0: {  	[tilespmem:s13], [sflag:$0x2] =	stream.indirect_vreg.gather [hbm4b:s1+s3], $0x80, v3, vm0, $0xb8;
	[tilespmem:$0x18100] =	vst v63  }
0xd1: {  	s15 =	simm.s32 $0x10500  }
0xd2: {  	[tilespmem:s15], [sflag:$0x2] =	stream.indirect_vreg.gather [hbm4b:s4+s3], $0x80, v3, vm1, $0xb8;
	[tilespmem:$0x18100] =	vst v63  }
0xd3: {  	v3 =	vld [tilespmem:$0xB0];
	_ =	sdelay $0x4  }
0xd4: {  	v11 =	vshrl.u32 v3, $0x3  }
0xd5: {  	v4 =	vmul.u32 $0x18, v11  }
0xd6: {  	v3 =	vand.u32 $0x7, v3  }
0xd7: {  	v3 =	vor.u32 v3, v4  }
0xd8: {  	v4 =	vperm.xlane v3, v0;
	_ =	sdelay $0x1  }
0xd9: {  	v4 =	vadd.s32 v1, v4;
	_ =	sdelay $0x1  }
0xda: {  	v3 =	vperm.xlane v3, v2;
	_ =	sdelay $0x1  }
0xdb: {  	s16 =	simm.s32 $0x10900;
	v3 =	vadd.s32 v1, v3  }
0xdc: {  	[tilespmem:s16], [sflag:$0x2] =	stream.indirect_vreg.gather [hbm4b:s1+s3], $0x80, v4, vm0, $0xb8;
	[tilespmem:$0x18100] =	vst v63  }
0xdd: {  	s17 =	simm.s32 $0x11100  }
0xde: {  	[tilespmem:s17], [sflag:$0x2] =	stream.indirect_vreg.gather [hbm4b:s4+s3], $0x80, v4, vm1, $0xb8;
	[tilespmem:$0x18100] =	vst v63  }
0xdf: {  	s18 =	simm.s32 $0x11500  }
0xe0: {  	[tilespmem:s18], [sflag:$0x2] =	stream.indirect_vreg.gather [hbm4b:s1+s3], $0x80, v3, vm0, $0xb8;
	[tilespmem:$0x18100] =	vst v63  }
0xe1: {  	s19 =	simm.s32 $0x11D00  }
0xe2: {  	[tilespmem:s19], [sflag:$0x2] =	stream.indirect_vreg.gather [hbm4b:s4+s3], $0x80, v3, vm1, $0xb8;
	[tilespmem:$0x18100] =	vst v63  }
0xe3: {  	v3 =	vld [tilespmem:$0xC0];
	_ =	sdelay $0x4  }
0xe4: {  	v12 =	vshrl.u32 v3, $0x3  }
0xe5: {  	v4 =	vmul.u32 $0x18, v12  }
0xe6: {  	v3 =	vand.u32 $0x7, v3  }
0xe7: {  	v3 =	vor.u32 v3, v4  }
0xe8: {  	v4 =	vperm.xlane v3, v0;
	_ =	sdelay $0x1  }
0xe9: {  	v4 =	vadd.s32 v1, v4;
	_ =	sdelay $0x1  }
0xea: {  	v3 =	vperm.xlane v3, v2;
	_ =	sdelay $0x1  }
0xeb: {  	s20 =	simm.s32 $0x12100;
	v3 =	vadd.s32 v1, v3  }
0xec: {  	[tilespmem:s20], [sflag:$0x2] =	stream.indirect_vreg.gather [hbm4b:s1+s3], $0x80, v4, vm0, $0xb8;
	[tilespmem:$0x18100] =	vst v63  }
0xed: {  	s21 =	simm.s32 $0x12900  }
0xee: {  	[tilespmem:s21], [sflag:$0x2] =	stream.indirect_vreg.gather [hbm4b:s4+s3], $0x80, v4, vm1, $0xb8;
	[tilespmem:$0x18100] =	vst v63  }
0xef: {  	s22 =	simm.s32 $0x12D00  }
0xf0: {  	[tilespmem:s22], [sflag:$0x2] =	stream.indirect_vreg.gather [hbm4b:s1+s3], $0x80, v3, vm0, $0xb8;
	[tilespmem:$0x18100] =	vst v63  }
0xf1: {  	s29 =	simm.s32 $0x13500  }
0xf2: {  	[tilespmem:s29], [sflag:$0x2] =	stream.indirect_vreg.gather [hbm4b:s4+s3], $0x80, v3, vm1, $0xb8;
	[tilespmem:$0x18100] =	vst v63  }
0xf3: {  	v3 =	vld [tilespmem:$0xD0];
	_ =	sdelay $0x4  }
0xf4: {  	v13 =	vshrl.u32 v3, $0x3  }
0xf5: {  	v4 =	vmul.u32 $0x18, v13  }
0xf6: {  	v3 =	vand.u32 $0x7, v3  }
0xf7: {  	v3 =	vor.u32 v3, v4  }
0xf8: {  	v4 =	vperm.xlane v3, v0;
	_ =	sdelay $0x1  }
0xf9: {  	v4 =	vadd.s32 v1, v4;
	_ =	sdelay $0x1  }
0xfa: {  	v3 =	vperm.xlane v3, v2;
	_ =	sdelay $0x1  }
0xfb: {  	s30 =	simm.s32 $0x13900;
	v3 =	vadd.s32 v1, v3  }
0xfc: {  	[tilespmem:s30], [sflag:$0x2] =	stream.indirect_vreg.gather [hbm4b:s1+s3], $0x80, v4, vm0, $0xb8;
	[tilespmem:$0x18100] =	vst v63  }
0xfd: {  	s31 =	simm.s32 $0x14100  }
0xfe: {  	[tilespmem:s31], [sflag:$0x2] =	stream.indirect_vreg.gather [hbm4b:s4+s3], $0x80, v4, vm1, $0xb8;
	[tilespmem:$0x18100] =	vst v63  }
0xff: {  	s0 =	simm.s32 $0x14500  }
0x100: {  	[tilespmem:s0], [sflag:$0x2] =	stream.indirect_vreg.gather [hbm4b:s1+s3], $0x80, v3, vm0, $0xb8;
	[tilespmem:$0x18100] =	vst v63  }
0x101: {  	s2 =	simm.s32 $0x14D00  }
0x102: {  	[tilespmem:s2], [sflag:$0x2] =	stream.indirect_vreg.gather [hbm4b:s4+s3], $0x80, v3, vm1, $0xb8;
	[tilespmem:$0x18100] =	vst v63  }
0x103: {  	v3 =	vld [tilespmem:$0xE0];
	_ =	sdelay $0x4  }
0x104: {  	v14 =	vshrl.u32 v3, $0x3  }
0x105: {  	v4 =	vmul.u32 $0x18, v14  }
0x106: {  	v3 =	vand.u32 $0x7, v3  }
0x107: {  	v3 =	vor.u32 v3, v4  }
0x108: {  	v4 =	vperm.xlane v3, v0;
	_ =	sdelay $0x1  }
0x109: {  	v4 =	vadd.s32 v1, v4;
	_ =	sdelay $0x1  }
0x10a: {  	v3 =	vperm.xlane v3, v2;
	_ =	sdelay $0x1  }
0x10b: {  	s12 =	simm.s32 $0x15100;
	v3 =	vadd.s32 v1, v3  }
0x10c: {  	[tilespmem:s12], [sflag:$0x2] =	stream.indirect_vreg.gather [hbm4b:s1+s3], $0x80, v4, vm0, $0xb8;
	[tilespmem:$0x18100] =	vst v63  }
0x10d: {  	s13 =	simm.s32 $0x15900  }
0x10e: {  	[tilespmem:s13], [sflag:$0x2] =	stream.indirect_vreg.gather [hbm4b:s4+s3], $0x80, v4, vm1, $0xb8;
	[tilespmem:$0x18100] =	vst v63  }
0x10f: {  	s15 =	simm.s32 $0x15D00  }
0x110: {  	[tilespmem:s15], [sflag:$0x2] =	stream.indirect_vreg.gather [hbm4b:s1+s3], $0x80, v3, vm0, $0xb8;
	[tilespmem:$0x18100] =	vst v63  }
0x111: {  	s16 =	simm.s32 $0x16500  }
0x112: {  	[tilespmem:s16], [sflag:$0x2] =	stream.indirect_vreg.gather [hbm4b:s4+s3], $0x80, v3, vm1, $0xb8;
	[tilespmem:$0x18100] =	vst v63  }
0x113: {  	v3 =	vld [tilespmem:$0xF0];
	_ =	sdelay $0x4  }
0x114: {  	v15 =	vshrl.u32 v3, $0x3  }
0x115: {  	v4 =	vmul.u32 $0x18, v15  }
0x116: {  	v3 =	vand.u32 $0x7, v3  }
0x117: {  	v3 =	vor.u32 v3, v4  }
0x118: {  	v4 =	vperm.xlane v3, v0;
	_ =	sdelay $0x1  }
0x119: {  	v4 =	vadd.s32 v1, v4;
	_ =	sdelay $0x1  }
0x11a: {  	v3 =	vperm.xlane v3, v2;
	_ =	sdelay $0x1  }
0x11b: {  	s17 =	simm.s32 $0x16900;
	v3 =	vadd.s32 v1, v3  }
0x11c: {  	[tilespmem:s17], [sflag:$0x2] =	stream.indirect_vreg.gather [hbm4b:s1+s3], $0x80, v4, vm0, $0xb8;
	[tilespmem:$0x18100] =	vst v63  }
0x11d: {  	s18 =	simm.s32 $0x17100  }
0x11e: {  	[tilespmem:s18], [sflag:$0x2] =	stream.indirect_vreg.gather [hbm4b:s4+s3], $0x80, v4, vm1, $0xb8;
	[tilespmem:$0x18100] =	vst v63  }
0x11f: {  	s19 =	simm.s32 $0x17500  }
0x120: {  	[tilespmem:s19], [sflag:$0x2] =	stream.indirect_vreg.gather [hbm4b:s1+s3], $0x80, v3, vm0, $0xb8;
	[tilespmem:$0x18100] =	vst v63  }
0x121: {  	s20 =	simm.s32 $0x17D00  }
0x122: {  	[tilespmem:s20], [sflag:$0x2] =	stream.indirect_vreg.gather [hbm4b:s4+s3], $0x80, v3, vm1, $0xb8;
	[tilespmem:$0x18100] =	vst v63  }
0x123: {  	_ =	swait.ge [sflag:s23], $0xC000  }
0x124: {  	[sflag:s23] =	ssyncset.done $0x0  }
0x125: {  	s22 =	simm.s32 $0x100;
	s21 =	rddreg [dreg:$0x6];
	[sflag:s23] =	ssyncadd.s32 $0xFFFF4000  }
0x126: {  	[hbm4b:s21+s3] =	stream.linear.scatter [tilespmem:s22], [sflag:$0x3], $0xC000, $0x38;
	[tilespmem:$0x18100] =	vst v63  }
0x127: {  	s29 =	rddreg [dreg:$0x7]  }
0x128: {  	[tilespmem:s3], [sflag:$0x5] =	stream.linear.gather [hbm4b:s29+s3], $0x80, $0x38;
	[tilespmem:$0x18100] =	vst v63  }
0x129: {  	_ =	swait.ge [sflag:s6], $0x80  }
0x12a: {  	[sflag:s6] =	ssyncset.done $0x0  }
0x12b: {  	[sflag:s6] =	ssyncadd.s32 $0xFFFFFF80  }
0x12c: {  	_ =	swait.ge [sflag:s24], $0xC000  }
0x12d: {  	[sflag:s24] =	ssyncset.done $0x0  }
0x12e: {  	[sflag:s24] =	ssyncadd.s32 $0xFFFF4000  }
0x12f: {  	v3 =	vld [tilespmem:$0x0];
	_ =	sdelay $0x4  }
0x130: {  	v16 =	vshrl.u32 v3, $0x3  }
0x131: {  	v4 =	vmul.u32 $0x18, v16  }
0x132: {  	v3 =	vand.u32 $0x7, v3  }
0x133: {  	v3 =	vor.u32 v3, v4  }
0x134: {  	v4 =	vperm.xlane v3, v0;
	_ =	sdelay $0x1  }
0x135: {  	v4 =	vadd.s32 v1, v4;
	_ =	sdelay $0x1  }
0x136: {  	v3 =	vperm.xlane v3, v2;
	_ =	sdelay $0x1  }
0x137: {  	v3 =	vadd.s32 v1, v3  }
0x138: {  	[tilespmem:s22], [sflag:$0x1] =	stream.indirect_vreg.gather [hbm4b:s1+s3], $0x80, v4, vm0, $0xb8;
	[tilespmem:$0x18100] =	vst v63  }
0x139: {  	s15 =	simm.s32 $0x900  }
0x13a: {  	[tilespmem:s15], [sflag:$0x1] =	stream.indirect_vreg.gather [hbm4b:s4+s3], $0x80, v4, vm1, $0xb8;
	[tilespmem:$0x18100] =	vst v63  }
0x13b: {  	s16 =	simm.s32 $0xD00  }
0x13c: {  	[tilespmem:s16], [sflag:$0x1] =	stream.indirect_vreg.gather [hbm4b:s1+s3], $0x80, v3, vm0, $0xb8;
	[tilespmem:$0x18100] =	vst v63  }
0x13d: {  	s7 =	simm.s32 $0x1500  }
0x13e: {  	[tilespmem:s7], [sflag:$0x1] =	stream.indirect_vreg.gather [hbm4b:s4+s3], $0x80, v3, vm1, $0xb8;
	[tilespmem:$0x18100] =	vst v63  }
0x13f: {  	v3 =	vld [tilespmem:$0x10];
	_ =	sdelay $0x4  }
0x140: {  	v17 =	vshrl.u32 v3, $0x3  }
0x141: {  	v4 =	vmul.u32 $0x18, v17  }
0x142: {  	v3 =	vand.u32 $0x7, v3  }
0x143: {  	v3 =	vor.u32 v3, v4  }
0x144: {  	v4 =	vperm.xlane v3, v0;
	_ =	sdelay $0x1  }
0x145: {  	v4 =	vadd.s32 v1, v4;
	_ =	sdelay $0x1  }
0x146: {  	v3 =	vperm.xlane v3, v2;
	_ =	sdelay $0x1  }
0x147: {  	s17 =	simm.s32 $0x1900;
	v3 =	vadd.s32 v1, v3  }
0x148: {  	[tilespmem:s17], [sflag:$0x1] =	stream.indirect_vreg.gather [hbm4b:s1+s3], $0x80, v4, vm0, $0xb8;
	[tilespmem:$0x18100] =	vst v63  }
0x149: {  	s18 =	simm.s32 $0x2100  }
0x14a: {  	[tilespmem:s18], [sflag:$0x1] =	stream.indirect_vreg.gather [hbm4b:s4+s3], $0x80, v4, vm1, $0xb8;
	[tilespmem:$0x18100] =	vst v63  }
0x14b: {  	s19 =	simm.s32 $0x2500  }
0x14c: {  	[tilespmem:s19], [sflag:$0x1] =	stream.indirect_vreg.gather [hbm4b:s1+s3], $0x80, v3, vm0, $0xb8;
	[tilespmem:$0x18100] =	vst v63  }
0x14d: {  	s8 =	simm.s32 $0x2D00  }
0x14e: {  	[tilespmem:s8], [sflag:$0x1] =	stream.indirect_vreg.gather [hbm4b:s4+s3], $0x80, v3, vm1, $0xb8;
	[tilespmem:$0x18100] =	vst v63  }
0x14f: {  	v3 =	vld [tilespmem:$0x20];
	_ =	sdelay $0x4  }
0x150: {  	v18 =	vshrl.u32 v3, $0x3  }
0x151: {  	v4 =	vmul.u32 $0x18, v18  }
0x152: {  	v3 =	vand.u32 $0x7, v3  }
0x153: {  	v3 =	vor.u32 v3, v4  }
0x154: {  	v4 =	vperm.xlane v3, v0;
	_ =	sdelay $0x1  }
0x155: {  	v4 =	vadd.s32 v1, v4;
	_ =	sdelay $0x1  }
0x156: {  	v3 =	vperm.xlane v3, v2;
	_ =	sdelay $0x1  }
0x157: {  	s20 =	simm.s32 $0x3100;
	v3 =	vadd.s32 v1, v3  }
0x158: {  	[tilespmem:s20], [sflag:$0x1] =	stream.indirect_vreg.gather [hbm4b:s1+s3], $0x80, v4, vm0, $0xb8;
	[tilespmem:$0x18100] =	vst v63  }
0x159: {  	s21 =	simm.s32 $0x3900  }
0x15a: {  	[tilespmem:s21], [sflag:$0x1] =	stream.indirect_vreg.gather [hbm4b:s4+s3], $0x80, v4, vm1, $0xb8;
	[tilespmem:$0x18100] =	vst v63  }
0x15b: {  	s22 =	simm.s32 $0x3D00  }
0x15c: {  	[tilespmem:s22], [sflag:$0x1] =	stream.indirect_vreg.gather [hbm4b:s1+s3], $0x80, v3, vm0, $0xb8;
	[tilespmem:$0x18100] =	vst v63  }
0x15d: {  	s9 =	simm.s32 $0x4500  }
0x15e: {  	[tilespmem:s9], [sflag:$0x1] =	stream.indirect_vreg.gather [hbm4b:s4+s3], $0x80, v3, vm1, $0xb8;
	[tilespmem:$0x18100] =	vst v63  }
0x15f: {  	v3 =	vld [tilespmem:$0x30];
	_ =	sdelay $0x4  }
0x160: {  	v19 =	vshrl.u32 v3, $0x3  }
0x161: {  	v4 =	vmul.u32 $0x18, v19  }
0x162: {  	v3 =	vand.u32 $0x7, v3  }
0x163: {  	v3 =	vor.u32 v3, v4  }
0x164: {  	v4 =	vperm.xlane v3, v0;
	_ =	sdelay $0x1  }
0x165: {  	v4 =	vadd.s32 v1, v4;
	_ =	sdelay $0x1  }
0x166: {  	v3 =	vperm.xlane v3, v2;
	_ =	sdelay $0x1  }
0x167: {  	s30 =	simm.s32 $0x4900;
	v3 =	vadd.s32 v1, v3  }
0x168: {  	[tilespmem:s30], [sflag:$0x1] =	stream.indirect_vreg.gather [hbm4b:s1+s3], $0x80, v4, vm0, $0xb8;
	[tilespmem:$0x18100] =	vst v63  }
0x169: {  	s31 =	simm.s32 $0x5100  }
0x16a: {  	[tilespmem:s31], [sflag:$0x1] =	stream.indirect_vreg.gather [hbm4b:s4+s3], $0x80, v4, vm1, $0xb8;
	[tilespmem:$0x18100] =	vst v63  }
0x16b: {  	s7 =	simm.s32 $0x5500  }
0x16c: {  	[tilespmem:s7], [sflag:$0x1] =	stream.indirect_vreg.gather [hbm4b:s1+s3], $0x80, v3, vm0, $0xb8;
	[tilespmem:$0x18100] =	vst v63  }
0x16d: {  	s10 =	simm.s32 $0x5D00  }
0x16e: {  	[tilespmem:s10], [sflag:$0x1] =	stream.indirect_vreg.gather [hbm4b:s4+s3], $0x80, v3, vm1, $0xb8;
	[tilespmem:$0x18100] =	vst v63  }
0x16f: {  	v3 =	vld [tilespmem:$0x40];
	_ =	sdelay $0x4  }
0x170: {  	v20 =	vshrl.u32 v3, $0x3  }
0x171: {  	v4 =	vmul.u32 $0x18, v20  }
0x172: {  	v3 =	vand.u32 $0x7, v3  }
0x173: {  	v3 =	vor.u32 v3, v4  }
0x174: {  	v4 =	vperm.xlane v3, v0;
	_ =	sdelay $0x1  }
0x175: {  	v4 =	vadd.s32 v1, v4;
	_ =	sdelay $0x1  }
0x176: {  	v3 =	vperm.xlane v3, v2;
	_ =	sdelay $0x1  }
0x177: {  	s8 =	simm.s32 $0x6100;
	v3 =	vadd.s32 v1, v3  }
0x178: {  	[tilespmem:s8], [sflag:$0x1] =	stream.indirect_vreg.gather [hbm4b:s1+s3], $0x80, v4, vm0, $0xb8;
	[tilespmem:$0x18100] =	vst v63  }
0x179: {  	s9 =	simm.s32 $0x6900  }
0x17a: {  	[tilespmem:s9], [sflag:$0x1] =	stream.indirect_vreg.gather [hbm4b:s4+s3], $0x80, v4, vm1, $0xb8;
	[tilespmem:$0x18100] =	vst v63  }
0x17b: {  	s10 =	simm.s32 $0x6D00  }
0x17c: {  	[tilespmem:s10], [sflag:$0x1] =	stream.indirect_vreg.gather [hbm4b:s1+s3], $0x80, v3, vm0, $0xb8;
	[tilespmem:$0x18100] =	vst v63  }
0x17d: {  	s11 =	simm.s32 $0x7500  }
0x17e: {  	[tilespmem:s11], [sflag:$0x1] =	stream.indirect_vreg.gather [hbm4b:s4+s3], $0x80, v3, vm1, $0xb8;
	[tilespmem:$0x18100] =	vst v63  }
0x17f: {  	v3 =	vld [tilespmem:$0x50];
	_ =	sdelay $0x4  }
0x180: {  	v21 =	vshrl.u32 v3, $0x3  }
0x181: {  	v4 =	vmul.u32 $0x18, v21  }
0x182: {  	v3 =	vand.u32 $0x7, v3  }
0x183: {  	v3 =	vor.u32 v3, v4  }
0x184: {  	v4 =	vperm.xlane v3, v0;
	_ =	sdelay $0x1  }
0x185: {  	v4 =	vadd.s32 v1, v4;
	_ =	sdelay $0x1  }
0x186: {  	v3 =	vperm.xlane v3, v2;
	_ =	sdelay $0x1  }
0x187: {  	s11 =	simm.s32 $0x7900;
	v3 =	vadd.s32 v1, v3  }
0x188: {  	[tilespmem:s11], [sflag:$0x1] =	stream.indirect_vreg.gather [hbm4b:s1+s3], $0x80, v4, vm0, $0xb8;
	[tilespmem:$0x18100] =	vst v63  }
0x189: {  	s12 =	simm.s32 $0x8100  }
0x18a: {  	[tilespmem:s12], [sflag:$0x1] =	stream.indirect_vreg.gather [hbm4b:s4+s3], $0x80, v4, vm1, $0xb8;
	[tilespmem:$0x18100] =	vst v63  }
0x18b: {  	s13 =	simm.s32 $0x8500  }
0x18c: {  	[tilespmem:s13], [sflag:$0x1] =	stream.indirect_vreg.gather [hbm4b:s1+s3], $0x80, v3, vm0, $0xb8;
	[tilespmem:$0x18100] =	vst v63  }
0x18d: {  	s14 =	simm.s32 $0x8D00  }
0x18e: {  	[tilespmem:s14], [sflag:$0x1] =	stream.indirect_vreg.gather [hbm4b:s4+s3], $0x80, v3, vm1, $0xb8;
	[tilespmem:$0x18100] =	vst v63  }
0x18f: {  	v3 =	vld [tilespmem:$0x60];
	_ =	sdelay $0x4  }
0x190: {  	v22 =	vshrl.u32 v3, $0x3  }
0x191: {  	v4 =	vmul.u32 $0x18, v22  }
0x192: {  	v3 =	vand.u32 $0x7, v3  }
0x193: {  	v3 =	vor.u32 v3, v4  }
0x194: {  	v4 =	vperm.xlane v3, v0;
	_ =	sdelay $0x1  }
0x195: {  	v4 =	vadd.s32 v1, v4;
	_ =	sdelay $0x1  }
0x196: {  	v3 =	vperm.xlane v3, v2;
	_ =	sdelay $0x1  }
0x197: {  	s14 =	simm.s32 $0x9100;
	v3 =	vadd.s32 v1, v3  }
0x198: {  	[tilespmem:s14], [sflag:$0x1] =	stream.indirect_vreg.gather [hbm4b:s1+s3], $0x80, v4, vm0, $0xb8;
	[tilespmem:$0x18100] =	vst v63  }
0x199: {  	s29 =	simm.s32 $0x9900  }
0x19a: {  	[tilespmem:s29], [sflag:$0x1] =	stream.indirect_vreg.gather [hbm4b:s4+s3], $0x80, v4, vm1, $0xb8;
	[tilespmem:$0x18100] =	vst v63  }
0x19b: {  	s0 =	simm.s32 $0x9D00  }
0x19c: {  	[tilespmem:s0], [sflag:$0x1] =	stream.indirect_vreg.gather [hbm4b:s1+s3], $0x80, v3, vm0, $0xb8;
	[tilespmem:$0x18100] =	vst v63  }
0x19d: {  	s28 =	simm.s32 $0xA500  }
0x19e: {  	[tilespmem:s28], [sflag:$0x1] =	stream.indirect_vreg.gather [hbm4b:s4+s3], $0x80, v3, vm1, $0xb8;
	[tilespmem:$0x18100] =	vst v63  }
0x19f: {  	v3 =	vld [tilespmem:$0x70];
	_ =	sdelay $0x4  }
0x1a0: {  	v23 =	vshrl.u32 v3, $0x3  }
0x1a1: {  	v4 =	vmul.u32 $0x18, v23  }
0x1a2: {  	v3 =	vand.u32 $0x7, v3  }
0x1a3: {  	v3 =	vor.u32 v3, v4  }
0x1a4: {  	v4 =	vperm.xlane v3, v0;
	_ =	sdelay $0x1  }
0x1a5: {  	v4 =	vadd.s32 v1, v4;
	_ =	sdelay $0x1  }
0x1a6: {  	v3 =	vperm.xlane v3, v2;
	_ =	sdelay $0x1  }
0x1a7: {  	s29 =	simm.s32 $0xA900;
	v3 =	vadd.s32 v1, v3  }
0x1a8: {  	[tilespmem:s29], [sflag:$0x1] =	stream.indirect_vreg.gather [hbm4b:s1+s3], $0x80, v4, vm0, $0xb8;
	[tilespmem:$0x18100] =	vst v63  }
0x1a9: {  	s0 =	simm.s32 $0xB100  }
0x1aa: {  	[tilespmem:s0], [sflag:$0x1] =	stream.indirect_vreg.gather [hbm4b:s4+s3], $0x80, v4, vm1, $0xb8;
	[tilespmem:$0x18100] =	vst v63  }
0x1ab: {  	s28 =	simm.s32 $0xB500  }
0x1ac: {  	[tilespmem:s28], [sflag:$0x1] =	stream.indirect_vreg.gather [hbm4b:s1+s3], $0x80, v3, vm0, $0xb8;
	[tilespmem:$0x18100] =	vst v63  }
0x1ad: {  	s29 =	simm.s32 $0xBD00  }
0x1ae: {  	[tilespmem:s29], [sflag:$0x1] =	stream.indirect_vreg.gather [hbm4b:s4+s3], $0x80, v3, vm1, $0xb8;
	[tilespmem:$0x18100] =	vst v63  }
0x1af: {  	_ =	swait.ge [sflag:s25], $0xC000  }
0x1b0: {  	[sflag:s25] =	ssyncset.done $0x0  }
0x1b1: {  	s2 =	simm.s32 $0xC100;
	s28 =	rddreg [dreg:$0x8];
	[sflag:s25] =	ssyncadd.s32 $0xFFFF4000  }
0x1b2: {  	[hbm4b:s28+s3] =	stream.linear.scatter [tilespmem:s2], [sflag:$0x4], $0xC000, $0x38;
	[tilespmem:$0x18100] =	vst v63  }
0x1b3: {  	s0 =	rddreg [dreg:$0x9];
	s28 =	simm.s32 $0x80  }
0x1b4: {  	[tilespmem:s28], [sflag:$0x5] =	stream.linear.gather [hbm4b:s0+s3], $0x80, $0x38;
	[tilespmem:$0x18100] =	vst v63  }
0x1b5: {  	_ =	swait.ge [sflag:s6], $0x80  }
0x1b6: {  	[sflag:s6] =	ssyncset.done $0x0  }
0x1b7: {  	[sflag:s6] =	ssyncadd.s32 $0xFFFFFF80  }
0x1b8: {  	_ =	swait.ge [sflag:s26], $0xC000  }
0x1b9: {  	[sflag:s26] =	ssyncset.done $0x0  }
0x1ba: {  	[sflag:s26] =	ssyncadd.s32 $0xFFFF4000  }
0x1bb: {  	v3 =	vld [tilespmem:$0x80];
	_ =	sdelay $0x4  }
0x1bc: {  	v24 =	vshrl.u32 v3, $0x3  }
0x1bd: {  	v4 =	vmul.u32 $0x18, v24  }
0x1be: {  	v3 =	vand.u32 $0x7, v3  }
0x1bf: {  	v3 =	vor.u32 v3, v4  }
0x1c0: {  	v4 =	vperm.xlane v3, v0;
	_ =	sdelay $0x1  }
0x1c1: {  	v4 =	vadd.s32 v1, v4;
	_ =	sdelay $0x1  }
0x1c2: {  	v3 =	vperm.xlane v3, v2;
	_ =	sdelay $0x1  }
0x1c3: {  	v3 =	vadd.s32 v1, v3  }
0x1c4: {  	[tilespmem:s2], [sflag:$0x2] =	stream.indirect_vreg.gather [hbm4b:s1+s3], $0x80, v4, vm0, $0xb8;
	[tilespmem:$0x18100] =	vst v63  }
0x1c5: {  	s29 =	simm.s32 $0xC900  }
0x1c6: {  	[tilespmem:s29], [sflag:$0x2] =	stream.indirect_vreg.gather [hbm4b:s4+s3], $0x80, v4, vm1, $0xb8;
	[tilespmem:$0x18100] =	vst v63  }
0x1c7: {  	s2 =	simm.s32 $0xCD00  }
0x1c8: {  	[tilespmem:s2], [sflag:$0x2] =	stream.indirect_vreg.gather [hbm4b:s1+s3], $0x80, v3, vm0, $0xb8;
	[tilespmem:$0x18100] =	vst v63  }
0x1c9: {  	s28 =	simm.s32 $0xD500  }
0x1ca: {  	[tilespmem:s28], [sflag:$0x2] =	stream.indirect_vreg.gather [hbm4b:s4+s3], $0x80, v3, vm1, $0xb8;
	[tilespmem:$0x18100] =	vst v63  }
0x1cb: {  	v3 =	vld [tilespmem:$0x90];
	_ =	sdelay $0x4  }
0x1cc: {  	v25 =	vshrl.u32 v3, $0x3  }
0x1cd: {  	v4 =	vmul.u32 $0x18, v25  }
0x1ce: {  	v3 =	vand.u32 $0x7, v3  }
0x1cf: {  	v3 =	vor.u32 v3, v4  }
0x1d0: {  	v4 =	vperm.xlane v3, v0;
	_ =	sdelay $0x1  }
0x1d1: {  	v4 =	vadd.s32 v1, v4;
	_ =	sdelay $0x1  }
0x1d2: {  	v3 =	vperm.xlane v3, v2;
	_ =	sdelay $0x1  }
0x1d3: {  	s29 =	simm.s32 $0xD900;
	v3 =	vadd.s32 v1, v3  }
0x1d4: {  	[tilespmem:s29], [sflag:$0x2] =	stream.indirect_vreg.gather [hbm4b:s1+s3], $0x80, v4, vm0, $0xb8;
	[tilespmem:$0x18100] =	vst v63  }
0x1d5: {  	s2 =	simm.s32 $0xE100  }
0x1d6: {  	[tilespmem:s2], [sflag:$0x2] =	stream.indirect_vreg.gather [hbm4b:s4+s3], $0x80, v4, vm1, $0xb8;
	[tilespmem:$0x18100] =	vst v63  }
0x1d7: {  	s28 =	simm.s32 $0xE500  }
0x1d8: {  	[tilespmem:s28], [sflag:$0x2] =	stream.indirect_vreg.gather [hbm4b:s1+s3], $0x80, v3, vm0, $0xb8;
	[tilespmem:$0x18100] =	vst v63  }
0x1d9: {  	s29 =	simm.s32 $0xED00  }
0x1da: {  	[tilespmem:s29], [sflag:$0x2] =	stream.indirect_vreg.gather [hbm4b:s4+s3], $0x80, v3, vm1, $0xb8;
	[tilespmem:$0x18100] =	vst v63  }
0x1db: {  	v3 =	vld [tilespmem:$0xA0];
	_ =	sdelay $0x4  }
0x1dc: {  	v26 =	vshrl.u32 v3, $0x3  }
0x1dd: {  	v4 =	vmul.u32 $0x18, v26  }
0x1de: {  	v3 =	vand.u32 $0x7, v3  }
0x1df: {  	v3 =	vor.u32 v3, v4  }
0x1e0: {  	v4 =	vperm.xlane v3, v0;
	_ =	sdelay $0x1  }
0x1e1: {  	v4 =	vadd.s32 v1, v4;
	_ =	sdelay $0x1  }
0x1e2: {  	v3 =	vperm.xlane v3, v2;
	_ =	sdelay $0x1  }
0x1e3: {  	s2 =	simm.s32 $0xF100;
	v3 =	vadd.s32 v1, v3  }
0x1e4: {  	[tilespmem:s2], [sflag:$0x2] =	stream.indirect_vreg.gather [hbm4b:s1+s3], $0x80, v4, vm0, $0xb8;
	[tilespmem:$0x18100] =	vst v63  }
0x1e5: {  	s28 =	simm.s32 $0xF900  }
0x1e6: {  	[tilespmem:s28], [sflag:$0x2] =	stream.indirect_vreg.gather [hbm4b:s4+s3], $0x80, v4, vm1, $0xb8;
	[tilespmem:$0x18100] =	vst v63  }
0x1e7: {  	s29 =	simm.s32 $0xFD00  }
0x1e8: {  	[tilespmem:s29], [sflag:$0x2] =	stream.indirect_vreg.gather [hbm4b:s1+s3], $0x80, v3, vm0, $0xb8;
	[tilespmem:$0x18100] =	vst v63  }
0x1e9: {  	s2 =	simm.s32 $0x10500  }
0x1ea: {  	[tilespmem:s2], [sflag:$0x2] =	stream.indirect_vreg.gather [hbm4b:s4+s3], $0x80, v3, vm1, $0xb8;
	[tilespmem:$0x18100] =	vst v63  }
0x1eb: {  	v3 =	vld [tilespmem:$0xB0];
	_ =	sdelay $0x4  }
0x1ec: {  	v27 =	vshrl.u32 v3, $0x3  }
0x1ed: {  	v4 =	vmul.u32 $0x18, v27  }
0x1ee: {  	v3 =	vand.u32 $0x7, v3  }
0x1ef: {  	v3 =	vor.u32 v3, v4  }
0x1f0: {  	v4 =	vperm.xlane v3, v0;
	_ =	sdelay $0x1  }
0x1f1: {  	v4 =	vadd.s32 v1, v4;
	_ =	sdelay $0x1  }
0x1f2: {  	v3 =	vperm.xlane v3, v2;
	_ =	sdelay $0x1  }
0x1f3: {  	s28 =	simm.s32 $0x10900;
	v3 =	vadd.s32 v1, v3  }
0x1f4: {  	[tilespmem:s28], [sflag:$0x2] =	stream.indirect_vreg.gather [hbm4b:s1+s3], $0x80, v4, vm0, $0xb8;
	[tilespmem:$0x18100] =	vst v63  }
0x1f5: {  	s29 =	simm.s32 $0x11100  }
0x1f6: {  	[tilespmem:s29], [sflag:$0x2] =	stream.indirect_vreg.gather [hbm4b:s4+s3], $0x80, v4, vm1, $0xb8;
	[tilespmem:$0x18100] =	vst v63  }
0x1f7: {  	s2 =	simm.s32 $0x11500  }
0x1f8: {  	[tilespmem:s2], [sflag:$0x2] =	stream.indirect_vreg.gather [hbm4b:s1+s3], $0x80, v3, vm0, $0xb8;
	[tilespmem:$0x18100] =	vst v63  }
0x1f9: {  	s28 =	simm.s32 $0x11D00  }
0x1fa: {  	[tilespmem:s28], [sflag:$0x2] =	stream.indirect_vreg.gather [hbm4b:s4+s3], $0x80, v3, vm1, $0xb8;
	[tilespmem:$0x18100] =	vst v63  }
0x1fb: {  	v3 =	vld [tilespmem:$0xC0];
	_ =	sdelay $0x4  }
0x1fc: {  	v28 =	vshrl.u32 v3, $0x3  }
0x1fd: {  	v4 =	vmul.u32 $0x18, v28  }
0x1fe: {  	v3 =	vand.u32 $0x7, v3  }
0x1ff: {  	v3 =	vor.u32 v3, v4  }
0x200: {  	v4 =	vperm.xlane v3, v0;
	_ =	sdelay $0x1  }
0x201: {  	v4 =	vadd.s32 v1, v4;
	_ =	sdelay $0x1  }
0x202: {  	v3 =	vperm.xlane v3, v2;
	_ =	sdelay $0x1  }
0x203: {  	s29 =	simm.s32 $0x12100;
	v3 =	vadd.s32 v1, v3  }
0x204: {  	[tilespmem:s29], [sflag:$0x2] =	stream.indirect_vreg.gather [hbm4b:s1+s3], $0x80, v4, vm0, $0xb8;
	[tilespmem:$0x18100] =	vst v63  }
0x205: {  	s2 =	simm.s32 $0x12900  }
0x206: {  	[tilespmem:s2], [sflag:$0x2] =	stream.indirect_vreg.gather [hbm4b:s4+s3], $0x80, v4, vm1, $0xb8;
	[tilespmem:$0x18100] =	vst v63  }
0x207: {  	s28 =	simm.s32 $0x12D00  }
0x208: {  	[tilespmem:s28], [sflag:$0x2] =	stream.indirect_vreg.gather [hbm4b:s1+s3], $0x80, v3, vm0, $0xb8;
	[tilespmem:$0x18100] =	vst v63  }
0x209: {  	s29 =	simm.s32 $0x13500  }
0x20a: {  	[tilespmem:s29], [sflag:$0x2] =	stream.indirect_vreg.gather [hbm4b:s4+s3], $0x80, v3, vm1, $0xb8;
	[tilespmem:$0x18100] =	vst v63  }
0x20b: {  	v3 =	vld [tilespmem:$0xD0];
	_ =	sdelay $0x4  }
0x20c: {  	v29 =	vshrl.u32 v3, $0x3  }
0x20d: {  	v4 =	vmul.u32 $0x18, v29  }
0x20e: {  	v3 =	vand.u32 $0x7, v3  }
0x20f: {  	v3 =	vor.u32 v3, v4  }
0x210: {  	v4 =	vperm.xlane v3, v0;
	_ =	sdelay $0x1  }
0x211: {  	v4 =	vadd.s32 v1, v4;
	_ =	sdelay $0x1  }
0x212: {  	v3 =	vperm.xlane v3, v2;
	_ =	sdelay $0x1  }
0x213: {  	s2 =	simm.s32 $0x13900;
	v3 =	vadd.s32 v1, v3  }
0x214: {  	[tilespmem:s2], [sflag:$0x2] =	stream.indirect_vreg.gather [hbm4b:s1+s3], $0x80, v4, vm0, $0xb8;
	[tilespmem:$0x18100] =	vst v63  }
0x215: {  	s28 =	simm.s32 $0x14100  }
0x216: {  	[tilespmem:s28], [sflag:$0x2] =	stream.indirect_vreg.gather [hbm4b:s4+s3], $0x80, v4, vm1, $0xb8;
	[tilespmem:$0x18100] =	vst v63  }
0x217: {  	s29 =	simm.s32 $0x14500  }
0x218: {  	[tilespmem:s29], [sflag:$0x2] =	stream.indirect_vreg.gather [hbm4b:s1+s3], $0x80, v3, vm0, $0xb8;
	[tilespmem:$0x18100] =	vst v63  }
0x219: {  	s2 =	simm.s32 $0x14D00  }
0x21a: {  	[tilespmem:s2], [sflag:$0x2] =	stream.indirect_vreg.gather [hbm4b:s4+s3], $0x80, v3, vm1, $0xb8;
	[tilespmem:$0x18100] =	vst v63  }
0x21b: {  	v3 =	vld [tilespmem:$0xE0];
	_ =	sdelay $0x4  }
0x21c: {  	v30 =	vshrl.u32 v3, $0x3  }
0x21d: {  	v4 =	vmul.u32 $0x18, v30  }
0x21e: {  	v3 =	vand.u32 $0x7, v3  }
0x21f: {  	v3 =	vor.u32 v3, v4  }
0x220: {  	v4 =	vperm.xlane v3, v0;
	_ =	sdelay $0x1  }
0x221: {  	v4 =	vadd.s32 v1, v4;
	_ =	sdelay $0x1  }
0x222: {  	v3 =	vperm.xlane v3, v2;
	_ =	sdelay $0x1  }
0x223: {  	s28 =	simm.s32 $0x15100;
	v3 =	vadd.s32 v1, v3  }
0x224: {  	[tilespmem:s28], [sflag:$0x2] =	stream.indirect_vreg.gather [hbm4b:s1+s3], $0x80, v4, vm0, $0xb8;
	[tilespmem:$0x18100] =	vst v63  }
0x225: {  	s29 =	simm.s32 $0x15900  }
0x226: {  	[tilespmem:s29], [sflag:$0x2] =	stream.indirect_vreg.gather [hbm4b:s4+s3], $0x80, v4, vm1, $0xb8;
	[tilespmem:$0x18100] =	vst v63  }
0x227: {  	s2 =	simm.s32 $0x15D00  }
0x228: {  	[tilespmem:s2], [sflag:$0x2] =	stream.indirect_vreg.gather [hbm4b:s1+s3], $0x80, v3, vm0, $0xb8;
	[tilespmem:$0x18100] =	vst v63  }
0x229: {  	s28 =	simm.s32 $0x16500  }
0x22a: {  	[tilespmem:s28], [sflag:$0x2] =	stream.indirect_vreg.gather [hbm4b:s4+s3], $0x80, v3, vm1, $0xb8;
	[tilespmem:$0x18100] =	vst v63  }
0x22b: {  	v3 =	vld [tilespmem:$0xF0];
	_ =	sdelay $0x4  }
0x22c: {  	v31 =	vshrl.u32 v3, $0x3  }
0x22d: {  	v4 =	vmul.u32 $0x18, v31  }
0x22e: {  	v3 =	vand.u32 $0x7, v3  }
0x22f: {  	v3 =	vor.u32 v3, v4  }
0x230: {  	v4 =	vperm.xlane v3, v0;
	_ =	sdelay $0x1  }
0x231: {  	v4 =	vadd.s32 v1, v4;
	_ =	sdelay $0x1  }
0x232: {  	v3 =	vperm.xlane v3, v2;
	_ =	sdelay $0x1  }
0x233: {  	s29 =	simm.s32 $0x16900;
	v3 =	vadd.s32 v1, v3  }
0x234: {  	[tilespmem:s29], [sflag:$0x2] =	stream.indirect_vreg.gather [hbm4b:s1+s3], $0x80, v4, vm0, $0xb8;
	[tilespmem:$0x18100] =	vst v63  }
0x235: {  	s2 =	simm.s32 $0x17100  }
0x236: {  	[tilespmem:s2], [sflag:$0x2] =	stream.indirect_vreg.gather [hbm4b:s4+s3], $0x80, v4, vm1, $0xb8;
	[tilespmem:$0x18100] =	vst v63  }
0x237: {  	s28 =	simm.s32 $0x17500  }
0x238: {  	[tilespmem:s28], [sflag:$0x2] =	stream.indirect_vreg.gather [hbm4b:s1+s3], $0x80, v3, vm0, $0xb8;
	[tilespmem:$0x18100] =	vst v63  }
0x239: {  	s29 =	simm.s32 $0x17D00  }
0x23a: {  	[tilespmem:s29], [sflag:$0x2] =	stream.indirect_vreg.gather [hbm4b:s4+s3], $0x80, v3, vm1, $0xb8;
	[tilespmem:$0x18100] =	vst v63  }
0x23b: {  	_ =	swait.ge [sflag:s23], $0xC000  }
0x23c: {  	[sflag:s23] =	ssyncset.done $0x0  }
0x23d: {  	s2 =	simm.s32 $0x100;
	s28 =	rddreg [dreg:$0xa];
	[sflag:s23] =	ssyncadd.s32 $0xFFFF4000  }
0x23e: {  	[hbm4b:s28+s3] =	stream.linear.scatter [tilespmem:s2], [sflag:$0x3], $0xC000, $0x38;
	[tilespmem:$0x18100] =	vst v63  }
0x23f: {  	s0 =	rddreg [dreg:$0xb]  }
0x240: {  	[tilespmem:s3], [sflag:$0x5] =	stream.linear.gather [hbm4b:s0+s3], $0x80, $0x38;
	[tilespmem:$0x18100] =	vst v63  }
0x241: {  	_ =	swait.ge [sflag:s6], $0x80  }
0x242: {  	[sflag:s6] =	ssyncset.done $0x0  }
0x243: {  	[sflag:s6] =	ssyncadd.s32 $0xFFFFFF80  }
0x244: {  	_ =	swait.ge [sflag:s24], $0xC000  }
0x245: {  	[sflag:s24] =	ssyncset.done $0x0  }
0x246: {  	[sflag:s24] =	ssyncadd.s32 $0xFFFF4000  }
0x247: {  	v3 =	vld [tilespmem:$0x0];
	_ =	sdelay $0x4  }
0x248: {  	v32 =	vshrl.u32 v3, $0x3  }
0x249: {  	v4 =	vmul.u32 $0x18, v32  }
0x24a: {  	v3 =	vand.u32 $0x7, v3  }
0x24b: {  	v3 =	vor.u32 v3, v4  }
0x24c: {  	v4 =	vperm.xlane v3, v0;
	_ =	sdelay $0x1  }
0x24d: {  	v4 =	vadd.s32 v1, v4;
	_ =	sdelay $0x1  }
0x24e: {  	v3 =	vperm.xlane v3, v2;
	_ =	sdelay $0x1  }
0x24f: {  	v3 =	vadd.s32 v1, v3  }
0x250: {  	[tilespmem:s2], [sflag:$0x1] =	stream.indirect_vreg.gather [hbm4b:s1+s3], $0x80, v4, vm0, $0xb8;
	[tilespmem:$0x18100] =	vst v63  }
0x251: {  	_ = 	snop  }
0x252: {  	[tilespmem:s15], [sflag:$0x1] =	stream.indirect_vreg.gather [hbm4b:s4+s3], $0x80, v4, vm1, $0xb8;
	[tilespmem:$0x18100] =	vst v63  }
0x253: {  	_ = 	snop  }
0x254: {  	[tilespmem:s16], [sflag:$0x1] =	stream.indirect_vreg.gather [hbm4b:s1+s3], $0x80, v3, vm0, $0xb8;
	[tilespmem:$0x18100] =	vst v63  }
0x255: {  	s28 =	simm.s32 $0x1500  }
0x256: {  	[tilespmem:s28], [sflag:$0x1] =	stream.indirect_vreg.gather [hbm4b:s4+s3], $0x80, v3, vm1, $0xb8;
	[tilespmem:$0x18100] =	vst v63  }
0x257: {  	v3 =	vld [tilespmem:$0x10];
	_ =	sdelay $0x4  }
0x258: {  	v33 =	vshrl.u32 v3, $0x3  }
0x259: {  	v4 =	vmul.u32 $0x18, v33  }
0x25a: {  	v3 =	vand.u32 $0x7, v3  }
0x25b: {  	v3 =	vor.u32 v3, v4  }
0x25c: {  	v4 =	vperm.xlane v3, v0;
	_ =	sdelay $0x1  }
0x25d: {  	v4 =	vadd.s32 v1, v4;
	_ =	sdelay $0x1  }
0x25e: {  	v3 =	vperm.xlane v3, v2;
	_ =	sdelay $0x1  }
0x25f: {  	v3 =	vadd.s32 v1, v3  }
0x260: {  	[tilespmem:s17], [sflag:$0x1] =	stream.indirect_vreg.gather [hbm4b:s1+s3], $0x80, v4, vm0, $0xb8;
	[tilespmem:$0x18100] =	vst v63  }
0x261: {  	_ = 	snop  }
0x262: {  	[tilespmem:s18], [sflag:$0x1] =	stream.indirect_vreg.gather [hbm4b:s4+s3], $0x80, v4, vm1, $0xb8;
	[tilespmem:$0x18100] =	vst v63  }
0x263: {  	_ = 	snop  }
0x264: {  	[tilespmem:s19], [sflag:$0x1] =	stream.indirect_vreg.gather [hbm4b:s1+s3], $0x80, v3, vm0, $0xb8;
	[tilespmem:$0x18100] =	vst v63  }
0x265: {  	s29 =	simm.s32 $0x2D00  }
0x266: {  	[tilespmem:s29], [sflag:$0x1] =	stream.indirect_vreg.gather [hbm4b:s4+s3], $0x80, v3, vm1, $0xb8;
	[tilespmem:$0x18100] =	vst v63  }
0x267: {  	v3 =	vld [tilespmem:$0x20];
	_ =	sdelay $0x4  }
0x268: {  	v34 =	vshrl.u32 v3, $0x3  }
0x269: {  	v4 =	vmul.u32 $0x18, v34  }
0x26a: {  	v3 =	vand.u32 $0x7, v3  }
0x26b: {  	v3 =	vor.u32 v3, v4  }
0x26c: {  	v4 =	vperm.xlane v3, v0;
	_ =	sdelay $0x1  }
0x26d: {  	v4 =	vadd.s32 v1, v4;
	_ =	sdelay $0x1  }
0x26e: {  	v3 =	vperm.xlane v3, v2;
	_ =	sdelay $0x1  }
0x26f: {  	v3 =	vadd.s32 v1, v3  }
0x270: {  	[tilespmem:s20], [sflag:$0x1] =	stream.indirect_vreg.gather [hbm4b:s1+s3], $0x80, v4, vm0, $0xb8;
	[tilespmem:$0x18100] =	vst v63  }
0x271: {  	_ = 	snop  }
0x272: {  	[tilespmem:s21], [sflag:$0x1] =	stream.indirect_vreg.gather [hbm4b:s4+s3], $0x80, v4, vm1, $0xb8;
	[tilespmem:$0x18100] =	vst v63  }
0x273: {  	_ = 	snop  }
0x274: {  	[tilespmem:s22], [sflag:$0x1] =	stream.indirect_vreg.gather [hbm4b:s1+s3], $0x80, v3, vm0, $0xb8;
	[tilespmem:$0x18100] =	vst v63  }
0x275: {  	s2 =	simm.s32 $0x4500  }
0x276: {  	[tilespmem:s2], [sflag:$0x1] =	stream.indirect_vreg.gather [hbm4b:s4+s3], $0x80, v3, vm1, $0xb8;
	[tilespmem:$0x18100] =	vst v63  }
0x277: {  	v3 =	vld [tilespmem:$0x30];
	_ =	sdelay $0x4  }
0x278: {  	v35 =	vshrl.u32 v3, $0x3  }
0x279: {  	v4 =	vmul.u32 $0x18, v35  }
0x27a: {  	v3 =	vand.u32 $0x7, v3  }
0x27b: {  	v3 =	vor.u32 v3, v4  }
0x27c: {  	v4 =	vperm.xlane v3, v0;
	_ =	sdelay $0x1  }
0x27d: {  	v4 =	vadd.s32 v1, v4;
	_ =	sdelay $0x1  }
0x27e: {  	v3 =	vperm.xlane v3, v2;
	_ =	sdelay $0x1  }
0x27f: {  	v3 =	vadd.s32 v1, v3  }
0x280: {  	[tilespmem:s30], [sflag:$0x1] =	stream.indirect_vreg.gather [hbm4b:s1+s3], $0x80, v4, vm0, $0xb8;
	[tilespmem:$0x18100] =	vst v63  }
0x281: {  	_ = 	snop  }
0x282: {  	[tilespmem:s31], [sflag:$0x1] =	stream.indirect_vreg.gather [hbm4b:s4+s3], $0x80, v4, vm1, $0xb8;
	[tilespmem:$0x18100] =	vst v63  }
0x283: {  	_ = 	snop  }
0x284: {  	[tilespmem:s7], [sflag:$0x1] =	stream.indirect_vreg.gather [hbm4b:s1+s3], $0x80, v3, vm0, $0xb8;
	[tilespmem:$0x18100] =	vst v63  }
0x285: {  	s7 =	simm.s32 $0x5D00  }
0x286: {  	[tilespmem:s7], [sflag:$0x1] =	stream.indirect_vreg.gather [hbm4b:s4+s3], $0x80, v3, vm1, $0xb8;
	[tilespmem:$0x18100] =	vst v63  }
0x287: {  	v3 =	vld [tilespmem:$0x40];
	_ =	sdelay $0x4  }
0x288: {  	v36 =	vshrl.u32 v3, $0x3  }
0x289: {  	v4 =	vmul.u32 $0x18, v36  }
0x28a: {  	v3 =	vand.u32 $0x7, v3  }
0x28b: {  	v3 =	vor.u32 v3, v4  }
0x28c: {  	v4 =	vperm.xlane v3, v0;
	_ =	sdelay $0x1  }
0x28d: {  	v4 =	vadd.s32 v1, v4;
	_ =	sdelay $0x1  }
0x28e: {  	v3 =	vperm.xlane v3, v2;
	_ =	sdelay $0x1  }
0x28f: {  	v3 =	vadd.s32 v1, v3  }
0x290: {  	[tilespmem:s8], [sflag:$0x1] =	stream.indirect_vreg.gather [hbm4b:s1+s3], $0x80, v4, vm0, $0xb8;
	[tilespmem:$0x18100] =	vst v63  }
0x291: {  	_ = 	snop  }
0x292: {  	[tilespmem:s9], [sflag:$0x1] =	stream.indirect_vreg.gather [hbm4b:s4+s3], $0x80, v4, vm1, $0xb8;
	[tilespmem:$0x18100] =	vst v63  }
0x293: {  	_ = 	snop  }
0x294: {  	[tilespmem:s10], [sflag:$0x1] =	stream.indirect_vreg.gather [hbm4b:s1+s3], $0x80, v3, vm0, $0xb8;
	[tilespmem:$0x18100] =	vst v63  }
0x295: {  	s28 =	simm.s32 $0x7500  }
0x296: {  	[tilespmem:s28], [sflag:$0x1] =	stream.indirect_vreg.gather [hbm4b:s4+s3], $0x80, v3, vm1, $0xb8;
	[tilespmem:$0x18100] =	vst v63  }
0x297: {  	v3 =	vld [tilespmem:$0x50];
	_ =	sdelay $0x4  }
0x298: {  	v37 =	vshrl.u32 v3, $0x3  }
0x299: {  	v4 =	vmul.u32 $0x18, v37  }
0x29a: {  	v3 =	vand.u32 $0x7, v3  }
0x29b: {  	v3 =	vor.u32 v3, v4  }
0x29c: {  	v4 =	vperm.xlane v3, v0;
	_ =	sdelay $0x1  }
0x29d: {  	v4 =	vadd.s32 v1, v4;
	_ =	sdelay $0x1  }
0x29e: {  	v3 =	vperm.xlane v3, v2;
	_ =	sdelay $0x1  }
0x29f: {  	v3 =	vadd.s32 v1, v3  }
0x2a0: {  	[tilespmem:s11], [sflag:$0x1] =	stream.indirect_vreg.gather [hbm4b:s1+s3], $0x80, v4, vm0, $0xb8;
	[tilespmem:$0x18100] =	vst v63  }
0x2a1: {  	_ = 	snop  }
0x2a2: {  	[tilespmem:s12], [sflag:$0x1] =	stream.indirect_vreg.gather [hbm4b:s4+s3], $0x80, v4, vm1, $0xb8;
	[tilespmem:$0x18100] =	vst v63  }
0x2a3: {  	_ = 	snop  }
0x2a4: {  	[tilespmem:s13], [sflag:$0x1] =	stream.indirect_vreg.gather [hbm4b:s1+s3], $0x80, v3, vm0, $0xb8;
	[tilespmem:$0x18100] =	vst v63  }
0x2a5: {  	s29 =	simm.s32 $0x8D00  }
0x2a6: {  	[tilespmem:s29], [sflag:$0x1] =	stream.indirect_vreg.gather [hbm4b:s4+s3], $0x80, v3, vm1, $0xb8;
	[tilespmem:$0x18100] =	vst v63  }
0x2a7: {  	v3 =	vld [tilespmem:$0x60];
	_ =	sdelay $0x4  }
0x2a8: {  	v38 =	vshrl.u32 v3, $0x3  }
0x2a9: {  	v4 =	vmul.u32 $0x18, v38  }
0x2aa: {  	v3 =	vand.u32 $0x7, v3  }
0x2ab: {  	v3 =	vor.u32 v3, v4  }
0x2ac: {  	v4 =	vperm.xlane v3, v0;
	_ =	sdelay $0x1  }
0x2ad: {  	v4 =	vadd.s32 v1, v4;
	_ =	sdelay $0x1  }
0x2ae: {  	v3 =	vperm.xlane v3, v2;
	_ =	sdelay $0x1  }
0x2af: {  	v3 =	vadd.s32 v1, v3  }
0x2b0: {  	[tilespmem:s14], [sflag:$0x1] =	stream.indirect_vreg.gather [hbm4b:s1+s3], $0x80, v4, vm0, $0xb8;
	[tilespmem:$0x18100] =	vst v63  }
0x2b1: {  	s31 =	simm.s32 $0x9900  }
0x2b2: {  	[tilespmem:s31], [sflag:$0x1] =	stream.indirect_vreg.gather [hbm4b:s4+s3], $0x80, v4, vm1, $0xb8;
	[tilespmem:$0x18100] =	vst v63  }
0x2b3: {  	s0 =	simm.s32 $0x9D00  }
0x2b4: {  	[tilespmem:s0], [sflag:$0x1] =	stream.indirect_vreg.gather [hbm4b:s1+s3], $0x80, v3, vm0, $0xb8;
	[tilespmem:$0x18100] =	vst v63  }
0x2b5: {  	s2 =	simm.s32 $0xA500  }
0x2b6: {  	[tilespmem:s2], [sflag:$0x1] =	stream.indirect_vreg.gather [hbm4b:s4+s3], $0x80, v3, vm1, $0xb8;
	[tilespmem:$0x18100] =	vst v63  }
0x2b7: {  	v3 =	vld [tilespmem:$0x70];
	_ =	sdelay $0x4  }
0x2b8: {  	v39 =	vshrl.u32 v3, $0x3  }
0x2b9: {  	v4 =	vmul.u32 $0x18, v39  }
0x2ba: {  	v3 =	vand.u32 $0x7, v3  }
0x2bb: {  	v3 =	vor.u32 v3, v4  }
0x2bc: {  	v4 =	vperm.xlane v3, v0;
	_ =	sdelay $0x1  }
0x2bd: {  	v4 =	vadd.s32 v1, v4;
	_ =	sdelay $0x1  }
0x2be: {  	v3 =	vperm.xlane v3, v2;
	_ =	sdelay $0x1  }
0x2bf: {  	s7 =	simm.s32 $0xA900;
	v3 =	vadd.s32 v1, v3  }
0x2c0: {  	[tilespmem:s7], [sflag:$0x1] =	stream.indirect_vreg.gather [hbm4b:s1+s3], $0x80, v4, vm0, $0xb8;
	[tilespmem:$0x18100] =	vst v63  }
0x2c1: {  	s8 =	simm.s32 $0xB100  }
0x2c2: {  	[tilespmem:s8], [sflag:$0x1] =	stream.indirect_vreg.gather [hbm4b:s4+s3], $0x80, v4, vm1, $0xb8;
	[tilespmem:$0x18100] =	vst v63  }
0x2c3: {  	s29 =	simm.s32 $0xB500  }
0x2c4: {  	[tilespmem:s29], [sflag:$0x1] =	stream.indirect_vreg.gather [hbm4b:s1+s3], $0x80, v3, vm0, $0xb8;
	[tilespmem:$0x18100] =	vst v63  }
0x2c5: {  	s0 =	simm.s32 $0xBD00  }
0x2c6: {  	[tilespmem:s0], [sflag:$0x1] =	stream.indirect_vreg.gather [hbm4b:s4+s3], $0x80, v3, vm1, $0xb8;
	[tilespmem:$0x18100] =	vst v63  }
0x2c7: {  	_ =	swait.ge [sflag:s25], $0xC000  }
0x2c8: {  	[sflag:s25] =	ssyncset.done $0x0  }
0x2c9: {  	s8 =	simm.s32 $0xC100;
	s2 =	rddreg [dreg:$0xc];
	[sflag:s25] =	ssyncadd.s32 $0xFFFF4000  }
0x2ca: {  	[hbm4b:s2+s3] =	stream.linear.scatter [tilespmem:s8], [sflag:$0x4], $0xC000, $0x38;
	[tilespmem:$0x18100] =	vst v63  }
0x2cb: {  	s7 =	rddreg [dreg:$0xd];
	s2 =	simm.s32 $0x80  }
0x2cc: {  	[tilespmem:s2], [sflag:$0x5] =	stream.linear.gather [hbm4b:s7+s3], $0x80, $0x38;
	[tilespmem:$0x18100] =	vst v63  }
0x2cd: {  	_ =	swait.ge [sflag:s6], $0x80  }
0x2ce: {  	[sflag:s6] =	ssyncset.done $0x0  }
0x2cf: {  	[sflag:s6] =	ssyncadd.s32 $0xFFFFFF80  }
0x2d0: {  	_ =	swait.ge [sflag:s26], $0xC000  }
0x2d1: {  	[sflag:s26] =	ssyncset.done $0x0  }
0x2d2: {  	[sflag:s26] =	ssyncadd.s32 $0xFFFF4000  }
0x2d3: {  	v3 =	vld [tilespmem:$0x80];
	_ =	sdelay $0x4  }
0x2d4: {  	v40 =	vshrl.u32 v3, $0x3  }
0x2d5: {  	v4 =	vmul.u32 $0x18, v40  }
0x2d6: {  	v3 =	vand.u32 $0x7, v3  }
0x2d7: {  	v3 =	vor.u32 v3, v4  }
0x2d8: {  	v4 =	vperm.xlane v3, v0;
	_ =	sdelay $0x1  }
0x2d9: {  	v4 =	vadd.s32 v1, v4;
	_ =	sdelay $0x1  }
0x2da: {  	v3 =	vperm.xlane v3, v2;
	_ =	sdelay $0x1  }
0x2db: {  	v3 =	vadd.s32 v1, v3  }
0x2dc: {  	[tilespmem:s8], [sflag:$0x2] =	stream.indirect_vreg.gather [hbm4b:s1+s3], $0x80, v4, vm0, $0xb8;
	[tilespmem:$0x18100] =	vst v63  }
0x2dd: {  	s0 =	simm.s32 $0xC900  }
0x2de: {  	[tilespmem:s0], [sflag:$0x2] =	stream.indirect_vreg.gather [hbm4b:s4+s3], $0x80, v4, vm1, $0xb8;
	[tilespmem:$0x18100] =	vst v63  }
0x2df: {  	s29 =	simm.s32 $0xCD00  }
0x2e0: {  	[tilespmem:s29], [sflag:$0x2] =	stream.indirect_vreg.gather [hbm4b:s1+s3], $0x80, v3, vm0, $0xb8;
	[tilespmem:$0x18100] =	vst v63  }
0x2e1: {  	s8 =	simm.s32 $0xD500  }
0x2e2: {  	[tilespmem:s8], [sflag:$0x2] =	stream.indirect_vreg.gather [hbm4b:s4+s3], $0x80, v3, vm1, $0xb8;
	[tilespmem:$0x18100] =	vst v63  }
0x2e3: {  	v3 =	vld [tilespmem:$0x90];
	_ =	sdelay $0x4  }
0x2e4: {  	v41 =	vshrl.u32 v3, $0x3  }
0x2e5: {  	v4 =	vmul.u32 $0x18, v41  }
0x2e6: {  	v3 =	vand.u32 $0x7, v3  }
0x2e7: {  	v3 =	vor.u32 v3, v4  }
0x2e8: {  	v4 =	vperm.xlane v3, v0;
	_ =	sdelay $0x1  }
0x2e9: {  	v4 =	vadd.s32 v1, v4;
	_ =	sdelay $0x1  }
0x2ea: {  	v3 =	vperm.xlane v3, v2;
	_ =	sdelay $0x1  }
0x2eb: {  	s29 =	simm.s32 $0xD900;
	v3 =	vadd.s32 v1, v3  }
0x2ec: {  	[tilespmem:s29], [sflag:$0x2] =	stream.indirect_vreg.gather [hbm4b:s1+s3], $0x80, v4, vm0, $0xb8;
	[tilespmem:$0x18100] =	vst v63  }
0x2ed: {  	s8 =	simm.s32 $0xE100  }
0x2ee: {  	[tilespmem:s8], [sflag:$0x2] =	stream.indirect_vreg.gather [hbm4b:s4+s3], $0x80, v4, vm1, $0xb8;
	[tilespmem:$0x18100] =	vst v63  }
0x2ef: {  	s29 =	simm.s32 $0xE500  }
0x2f0: {  	[tilespmem:s29], [sflag:$0x2] =	stream.indirect_vreg.gather [hbm4b:s1+s3], $0x80, v3, vm0, $0xb8;
	[tilespmem:$0x18100] =	vst v63  }
0x2f1: {  	s8 =	simm.s32 $0xED00  }
0x2f2: {  	[tilespmem:s8], [sflag:$0x2] =	stream.indirect_vreg.gather [hbm4b:s4+s3], $0x80, v3, vm1, $0xb8;
	[tilespmem:$0x18100] =	vst v63  }
0x2f3: {  	v3 =	vld [tilespmem:$0xA0];
	_ =	sdelay $0x4  }
0x2f4: {  	v42 =	vshrl.u32 v3, $0x3  }
0x2f5: {  	v4 =	vmul.u32 $0x18, v42  }
0x2f6: {  	v3 =	vand.u32 $0x7, v3  }
0x2f7: {  	v3 =	vor.u32 v3, v4  }
0x2f8: {  	v4 =	vperm.xlane v3, v0;
	_ =	sdelay $0x1  }
0x2f9: {  	v4 =	vadd.s32 v1, v4;
	_ =	sdelay $0x1  }
0x2fa: {  	v3 =	vperm.xlane v3, v2;
	_ =	sdelay $0x1  }
0x2fb: {  	s29 =	simm.s32 $0xF100;
	v3 =	vadd.s32 v1, v3  }
0x2fc: {  	[tilespmem:s29], [sflag:$0x2] =	stream.indirect_vreg.gather [hbm4b:s1+s3], $0x80, v4, vm0, $0xb8;
	[tilespmem:$0x18100] =	vst v63  }
0x2fd: {  	s8 =	simm.s32 $0xF900  }
0x2fe: {  	[tilespmem:s8], [sflag:$0x2] =	stream.indirect_vreg.gather [hbm4b:s4+s3], $0x80, v4, vm1, $0xb8;
	[tilespmem:$0x18100] =	vst v63  }
0x2ff: {  	s29 =	simm.s32 $0xFD00  }
0x300: {  	[tilespmem:s29], [sflag:$0x2] =	stream.indirect_vreg.gather [hbm4b:s1+s3], $0x80, v3, vm0, $0xb8;
	[tilespmem:$0x18100] =	vst v63  }
0x301: {  	s8 =	simm.s32 $0x10500  }
0x302: {  	[tilespmem:s8], [sflag:$0x2] =	stream.indirect_vreg.gather [hbm4b:s4+s3], $0x80, v3, vm1, $0xb8;
	[tilespmem:$0x18100] =	vst v63  }
0x303: {  	v3 =	vld [tilespmem:$0xB0];
	_ =	sdelay $0x4  }
0x304: {  	v43 =	vshrl.u32 v3, $0x3  }
0x305: {  	v4 =	vmul.u32 $0x18, v43  }
0x306: {  	v3 =	vand.u32 $0x7, v3  }
0x307: {  	v3 =	vor.u32 v3, v4  }
0x308: {  	v4 =	vperm.xlane v3, v0;
	_ =	sdelay $0x1  }
0x309: {  	v4 =	vadd.s32 v1, v4;
	_ =	sdelay $0x1  }
0x30a: {  	v3 =	vperm.xlane v3, v2;
	_ =	sdelay $0x1  }
0x30b: {  	s29 =	simm.s32 $0x10900;
	v3 =	vadd.s32 v1, v3  }
0x30c: {  	[tilespmem:s29], [sflag:$0x2] =	stream.indirect_vreg.gather [hbm4b:s1+s3], $0x80, v4, vm0, $0xb8;
	[tilespmem:$0x18100] =	vst v63  }
0x30d: {  	s8 =	simm.s32 $0x11100  }
0x30e: {  	[tilespmem:s8], [sflag:$0x2] =	stream.indirect_vreg.gather [hbm4b:s4+s3], $0x80, v4, vm1, $0xb8;
	[tilespmem:$0x18100] =	vst v63  }
0x30f: {  	s29 =	simm.s32 $0x11500  }
0x310: {  	[tilespmem:s29], [sflag:$0x2] =	stream.indirect_vreg.gather [hbm4b:s1+s3], $0x80, v3, vm0, $0xb8;
	[tilespmem:$0x18100] =	vst v63  }
0x311: {  	s8 =	simm.s32 $0x11D00  }
0x312: {  	[tilespmem:s8], [sflag:$0x2] =	stream.indirect_vreg.gather [hbm4b:s4+s3], $0x80, v3, vm1, $0xb8;
	[tilespmem:$0x18100] =	vst v63  }
0x313: {  	v3 =	vld [tilespmem:$0xC0];
	_ =	sdelay $0x4  }
0x314: {  	v44 =	vshrl.u32 v3, $0x3  }
0x315: {  	v4 =	vmul.u32 $0x18, v44  }
0x316: {  	v3 =	vand.u32 $0x7, v3  }
0x317: {  	v3 =	vor.u32 v3, v4  }
0x318: {  	v4 =	vperm.xlane v3, v0;
	_ =	sdelay $0x1  }
0x319: {  	v4 =	vadd.s32 v1, v4;
	_ =	sdelay $0x1  }
0x31a: {  	v3 =	vperm.xlane v3, v2;
	_ =	sdelay $0x1  }
0x31b: {  	s29 =	simm.s32 $0x12100;
	v3 =	vadd.s32 v1, v3  }
0x31c: {  	[tilespmem:s29], [sflag:$0x2] =	stream.indirect_vreg.gather [hbm4b:s1+s3], $0x80, v4, vm0, $0xb8;
	[tilespmem:$0x18100] =	vst v63  }
0x31d: {  	s8 =	simm.s32 $0x12900  }
0x31e: {  	[tilespmem:s8], [sflag:$0x2] =	stream.indirect_vreg.gather [hbm4b:s4+s3], $0x80, v4, vm1, $0xb8;
	[tilespmem:$0x18100] =	vst v63  }
0x31f: {  	s29 =	simm.s32 $0x12D00  }
0x320: {  	[tilespmem:s29], [sflag:$0x2] =	stream.indirect_vreg.gather [hbm4b:s1+s3], $0x80, v3, vm0, $0xb8;
	[tilespmem:$0x18100] =	vst v63  }
0x321: {  	s8 =	simm.s32 $0x13500  }
0x322: {  	[tilespmem:s8], [sflag:$0x2] =	stream.indirect_vreg.gather [hbm4b:s4+s3], $0x80, v3, vm1, $0xb8;
	[tilespmem:$0x18100] =	vst v63  }
0x323: {  	v3 =	vld [tilespmem:$0xD0];
	_ =	sdelay $0x4  }
0x324: {  	v45 =	vshrl.u32 v3, $0x3  }
0x325: {  	v4 =	vmul.u32 $0x18, v45  }
0x326: {  	v3 =	vand.u32 $0x7, v3  }
0x327: {  	v3 =	vor.u32 v3, v4  }
0x328: {  	v4 =	vperm.xlane v3, v0;
	_ =	sdelay $0x1  }
0x329: {  	v4 =	vadd.s32 v1, v4;
	_ =	sdelay $0x1  }
0x32a: {  	v3 =	vperm.xlane v3, v2;
	_ =	sdelay $0x1  }
0x32b: {  	s29 =	simm.s32 $0x13900;
	v3 =	vadd.s32 v1, v3  }
0x32c: {  	[tilespmem:s29], [sflag:$0x2] =	stream.indirect_vreg.gather [hbm4b:s1+s3], $0x80, v4, vm0, $0xb8;
	[tilespmem:$0x18100] =	vst v63  }
0x32d: {  	s8 =	simm.s32 $0x14100  }
0x32e: {  	[tilespmem:s8], [sflag:$0x2] =	stream.indirect_vreg.gather [hbm4b:s4+s3], $0x80, v4, vm1, $0xb8;
	[tilespmem:$0x18100] =	vst v63  }
0x32f: {  	s29 =	simm.s32 $0x14500  }
0x330: {  	[tilespmem:s29], [sflag:$0x2] =	stream.indirect_vreg.gather [hbm4b:s1+s3], $0x80, v3, vm0, $0xb8;
	[tilespmem:$0x18100] =	vst v63  }
0x331: {  	s8 =	simm.s32 $0x14D00  }
0x332: {  	[tilespmem:s8], [sflag:$0x2] =	stream.indirect_vreg.gather [hbm4b:s4+s3], $0x80, v3, vm1, $0xb8;
	[tilespmem:$0x18100] =	vst v63  }
0x333: {  	v3 =	vld [tilespmem:$0xE0];
	_ =	sdelay $0x4  }
0x334: {  	v46 =	vshrl.u32 v3, $0x3  }
0x335: {  	v4 =	vmul.u32 $0x18, v46  }
0x336: {  	v3 =	vand.u32 $0x7, v3  }
0x337: {  	v3 =	vor.u32 v3, v4  }
0x338: {  	v4 =	vperm.xlane v3, v0;
	_ =	sdelay $0x1  }
0x339: {  	v4 =	vadd.s32 v1, v4;
	_ =	sdelay $0x1  }
0x33a: {  	v3 =	vperm.xlane v3, v2;
	_ =	sdelay $0x1  }
0x33b: {  	s29 =	simm.s32 $0x15100;
	v3 =	vadd.s32 v1, v3  }
0x33c: {  	[tilespmem:s29], [sflag:$0x2] =	stream.indirect_vreg.gather [hbm4b:s1+s3], $0x80, v4, vm0, $0xb8;
	[tilespmem:$0x18100] =	vst v63  }
0x33d: {  	s8 =	simm.s32 $0x15900  }
0x33e: {  	[tilespmem:s8], [sflag:$0x2] =	stream.indirect_vreg.gather [hbm4b:s4+s3], $0x80, v4, vm1, $0xb8;
	[tilespmem:$0x18100] =	vst v63  }
0x33f: {  	s29 =	simm.s32 $0x15D00  }
0x340: {  	[tilespmem:s29], [sflag:$0x2] =	stream.indirect_vreg.gather [hbm4b:s1+s3], $0x80, v3, vm0, $0xb8;
	[tilespmem:$0x18100] =	vst v63  }
0x341: {  	s8 =	simm.s32 $0x16500  }
0x342: {  	[tilespmem:s8], [sflag:$0x2] =	stream.indirect_vreg.gather [hbm4b:s4+s3], $0x80, v3, vm1, $0xb8;
	[tilespmem:$0x18100] =	vst v63  }
0x343: {  	v3 =	vld [tilespmem:$0xF0];
	_ =	sdelay $0x4  }
0x344: {  	v47 =	vshrl.u32 v3, $0x3  }
0x345: {  	v4 =	vmul.u32 $0x18, v47  }
0x346: {  	v3 =	vand.u32 $0x7, v3  }
0x347: {  	v3 =	vor.u32 v3, v4  }
0x348: {  	v4 =	vperm.xlane v3, v0;
	_ =	sdelay $0x1  }
0x349: {  	v4 =	vadd.s32 v1, v4;
	_ =	sdelay $0x1  }
0x34a: {  	v3 =	vperm.xlane v3, v2;
	_ =	sdelay $0x1  }
0x34b: {  	s29 =	simm.s32 $0x16900;
	v3 =	vadd.s32 v1, v3  }
0x34c: {  	[tilespmem:s29], [sflag:$0x2] =	stream.indirect_vreg.gather [hbm4b:s1+s3], $0x80, v4, vm0, $0xb8;
	[tilespmem:$0x18100] =	vst v63  }
0x34d: {  	s8 =	simm.s32 $0x17100  }
0x34e: {  	[tilespmem:s8], [sflag:$0x2] =	stream.indirect_vreg.gather [hbm4b:s4+s3], $0x80, v4, vm1, $0xb8;
	[tilespmem:$0x18100] =	vst v63  }
0x34f: {  	s29 =	simm.s32 $0x17500  }
0x350: {  	[tilespmem:s29], [sflag:$0x2] =	stream.indirect_vreg.gather [hbm4b:s1+s3], $0x80, v3, vm0, $0xb8;
	[tilespmem:$0x18100] =	vst v63  }
0x351: {  	s8 =	simm.s32 $0x17D00  }
0x352: {  	[tilespmem:s8], [sflag:$0x2] =	stream.indirect_vreg.gather [hbm4b:s4+s3], $0x80, v3, vm1, $0xb8;
	[tilespmem:$0x18100] =	vst v63  }
0x353: {  	_ =	swait.ge [sflag:s23], $0xC000  }
0x354: {  	[sflag:s23] =	ssyncset.done $0x0  }
0x355: {  	s8 =	simm.s32 $0x100;
	s28 =	rddreg [dreg:$0xe];
	[sflag:s23] =	ssyncadd.s32 $0xFFFF4000  }
0x356: {  	[hbm4b:s28+s3] =	stream.linear.scatter [tilespmem:s8], [sflag:$0x3], $0xC000, $0x38;
	[tilespmem:$0x18100] =	vst v63  }
0x357: {  	s29 =	rddreg [dreg:$0xf]  }
0x358: {  	[tilespmem:s3], [sflag:$0x5] =	stream.linear.gather [hbm4b:s29+s3], $0x80, $0x38;
	[tilespmem:$0x18100] =	vst v63  }
0x359: {  	_ =	swait.ge [sflag:s6], $0x80  }
0x35a: {  	[sflag:s6] =	ssyncset.done $0x0  }
0x35b: {  	[sflag:s6] =	ssyncadd.s32 $0xFFFFFF80  }
0x35c: {  	_ =	swait.ge [sflag:s24], $0xC000  }
0x35d: {  	[sflag:s24] =	ssyncset.done $0x0  }
0x35e: {  	[sflag:s24] =	ssyncadd.s32 $0xFFFF4000  }
0x35f: {  	v3 =	vld [tilespmem:$0x0];
	_ =	sdelay $0x4  }
0x360: {  	v48 =	vshrl.u32 v3, $0x3  }
0x361: {  	v4 =	vmul.u32 $0x18, v48  }
0x362: {  	v3 =	vand.u32 $0x7, v3  }
0x363: {  	v3 =	vor.u32 v3, v4  }
0x364: {  	v4 =	vperm.xlane v3, v0;
	_ =	sdelay $0x1  }
0x365: {  	v4 =	vadd.s32 v1, v4;
	_ =	sdelay $0x1  }
0x366: {  	v3 =	vperm.xlane v3, v2;
	_ =	sdelay $0x1  }
0x367: {  	v3 =	vadd.s32 v1, v3  }
0x368: {  	[tilespmem:s8], [sflag:$0x1] =	stream.indirect_vreg.gather [hbm4b:s1+s3], $0x80, v4, vm0, $0xb8;
	[tilespmem:$0x18100] =	vst v63  }
0x369: {  	s29 =	simm.s32 $0x900  }
0x36a: {  	[tilespmem:s29], [sflag:$0x1] =	stream.indirect_vreg.gather [hbm4b:s4+s3], $0x80, v4, vm1, $0xb8;
	[tilespmem:$0x18100] =	vst v63  }
0x36b: {  	s15 =	simm.s32 $0xD00  }
0x36c: {  	[tilespmem:s15], [sflag:$0x1] =	stream.indirect_vreg.gather [hbm4b:s1+s3], $0x80, v3, vm0, $0xb8;
	[tilespmem:$0x18100] =	vst v63  }
0x36d: {  	s29 =	simm.s32 $0x1500  }
0x36e: {  	[tilespmem:s29], [sflag:$0x1] =	stream.indirect_vreg.gather [hbm4b:s4+s3], $0x80, v3, vm1, $0xb8;
	[tilespmem:$0x18100] =	vst v63  }
0x36f: {  	v3 =	vld [tilespmem:$0x10];
	_ =	sdelay $0x4  }
0x370: {  	v49 =	vshrl.u32 v3, $0x3  }
0x371: {  	v4 =	vmul.u32 $0x18, v49  }
0x372: {  	v3 =	vand.u32 $0x7, v3  }
0x373: {  	v3 =	vor.u32 v3, v4  }
0x374: {  	v4 =	vperm.xlane v3, v0;
	_ =	sdelay $0x1  }
0x375: {  	v4 =	vadd.s32 v1, v4;
	_ =	sdelay $0x1  }
0x376: {  	v3 =	vperm.xlane v3, v2;
	_ =	sdelay $0x1  }
0x377: {  	s16 =	simm.s32 $0x1900;
	v3 =	vadd.s32 v1, v3  }
0x378: {  	[tilespmem:s16], [sflag:$0x1] =	stream.indirect_vreg.gather [hbm4b:s1+s3], $0x80, v4, vm0, $0xb8;
	[tilespmem:$0x18100] =	vst v63  }
0x379: {  	s17 =	simm.s32 $0x2100  }
0x37a: {  	[tilespmem:s17], [sflag:$0x1] =	stream.indirect_vreg.gather [hbm4b:s4+s3], $0x80, v4, vm1, $0xb8;
	[tilespmem:$0x18100] =	vst v63  }
0x37b: {  	s18 =	simm.s32 $0x2500  }
0x37c: {  	[tilespmem:s18], [sflag:$0x1] =	stream.indirect_vreg.gather [hbm4b:s1+s3], $0x80, v3, vm0, $0xb8;
	[tilespmem:$0x18100] =	vst v63  }
0x37d: {  	s16 =	simm.s32 $0x2D00  }
0x37e: {  	[tilespmem:s16], [sflag:$0x1] =	stream.indirect_vreg.gather [hbm4b:s4+s3], $0x80, v3, vm1, $0xb8;
	[tilespmem:$0x18100] =	vst v63  }
0x37f: {  	v3 =	vld [tilespmem:$0x20];
	_ =	sdelay $0x4  }
0x380: {  	v50 =	vshrl.u32 v3, $0x3  }
0x381: {  	v4 =	vmul.u32 $0x18, v50  }
0x382: {  	v3 =	vand.u32 $0x7, v3  }
0x383: {  	v3 =	vor.u32 v3, v4  }
0x384: {  	v4 =	vperm.xlane v3, v0;
	_ =	sdelay $0x1  }
0x385: {  	v4 =	vadd.s32 v1, v4;
	_ =	sdelay $0x1  }
0x386: {  	v3 =	vperm.xlane v3, v2;
	_ =	sdelay $0x1  }
0x387: {  	s19 =	simm.s32 $0x3100;
	v3 =	vadd.s32 v1, v3  }
0x388: {  	[tilespmem:s19], [sflag:$0x1] =	stream.indirect_vreg.gather [hbm4b:s1+s3], $0x80, v4, vm0, $0xb8;
	[tilespmem:$0x18100] =	vst v63  }
0x389: {  	s20 =	simm.s32 $0x3900  }
0x38a: {  	[tilespmem:s20], [sflag:$0x1] =	stream.indirect_vreg.gather [hbm4b:s4+s3], $0x80, v4, vm1, $0xb8;
	[tilespmem:$0x18100] =	vst v63  }
0x38b: {  	s21 =	simm.s32 $0x3D00  }
0x38c: {  	[tilespmem:s21], [sflag:$0x1] =	stream.indirect_vreg.gather [hbm4b:s1+s3], $0x80, v3, vm0, $0xb8;
	[tilespmem:$0x18100] =	vst v63  }
0x38d: {  	s17 =	simm.s32 $0x4500  }
0x38e: {  	[tilespmem:s17], [sflag:$0x1] =	stream.indirect_vreg.gather [hbm4b:s4+s3], $0x80, v3, vm1, $0xb8;
	[tilespmem:$0x18100] =	vst v63  }
0x38f: {  	v3 =	vld [tilespmem:$0x30];
	_ =	sdelay $0x4  }
0x390: {  	v51 =	vshrl.u32 v3, $0x3  }
0x391: {  	v4 =	vmul.u32 $0x18, v51  }
0x392: {  	v3 =	vand.u32 $0x7, v3  }
0x393: {  	v3 =	vor.u32 v3, v4  }
0x394: {  	v4 =	vperm.xlane v3, v0;
	_ =	sdelay $0x1  }
0x395: {  	v4 =	vadd.s32 v1, v4;
	_ =	sdelay $0x1  }
0x396: {  	v3 =	vperm.xlane v3, v2;
	_ =	sdelay $0x1  }
0x397: {  	s22 =	simm.s32 $0x4900;
	v3 =	vadd.s32 v1, v3  }
0x398: {  	[tilespmem:s22], [sflag:$0x1] =	stream.indirect_vreg.gather [hbm4b:s1+s3], $0x80, v4, vm0, $0xb8;
	[tilespmem:$0x18100] =	vst v63  }
0x399: {  	s30 =	simm.s32 $0x5100  }
0x39a: {  	[tilespmem:s30], [sflag:$0x1] =	stream.indirect_vreg.gather [hbm4b:s4+s3], $0x80, v4, vm1, $0xb8;
	[tilespmem:$0x18100] =	vst v63  }
0x39b: {  	s18 =	simm.s32 $0x5500  }
0x39c: {  	[tilespmem:s18], [sflag:$0x1] =	stream.indirect_vreg.gather [hbm4b:s1+s3], $0x80, v3, vm0, $0xb8;
	[tilespmem:$0x18100] =	vst v63  }
0x39d: {  	s19 =	simm.s32 $0x5D00  }
0x39e: {  	[tilespmem:s19], [sflag:$0x1] =	stream.indirect_vreg.gather [hbm4b:s4+s3], $0x80, v3, vm1, $0xb8;
	[tilespmem:$0x18100] =	vst v63  }
0x39f: {  	v3 =	vld [tilespmem:$0x40];
	_ =	sdelay $0x4  }
0x3a0: {  	v52 =	vshrl.u32 v3, $0x3  }
0x3a1: {  	v4 =	vmul.u32 $0x18, v52  }
0x3a2: {  	v3 =	vand.u32 $0x7, v3  }
0x3a3: {  	v3 =	vor.u32 v3, v4  }
0x3a4: {  	v4 =	vperm.xlane v3, v0;
	_ =	sdelay $0x1  }
0x3a5: {  	v4 =	vadd.s32 v1, v4;
	_ =	sdelay $0x1  }
0x3a6: {  	v3 =	vperm.xlane v3, v2;
	_ =	sdelay $0x1  }
0x3a7: {  	s20 =	simm.s32 $0x6100;
	v3 =	vadd.s32 v1, v3  }
0x3a8: {  	[tilespmem:s20], [sflag:$0x1] =	stream.indirect_vreg.gather [hbm4b:s1+s3], $0x80, v4, vm0, $0xb8;
	[tilespmem:$0x18100] =	vst v63  }
0x3a9: {  	s9 =	simm.s32 $0x6900  }
0x3aa: {  	[tilespmem:s9], [sflag:$0x1] =	stream.indirect_vreg.gather [hbm4b:s4+s3], $0x80, v4, vm1, $0xb8;
	[tilespmem:$0x18100] =	vst v63  }
0x3ab: {  	s10 =	simm.s32 $0x6D00  }
0x3ac: {  	[tilespmem:s10], [sflag:$0x1] =	stream.indirect_vreg.gather [hbm4b:s1+s3], $0x80, v3, vm0, $0xb8;
	[tilespmem:$0x18100] =	vst v63  }
0x3ad: {  	s21 =	simm.s32 $0x7500  }
0x3ae: {  	[tilespmem:s21], [sflag:$0x1] =	stream.indirect_vreg.gather [hbm4b:s4+s3], $0x80, v3, vm1, $0xb8;
	[tilespmem:$0x18100] =	vst v63  }
0x3af: {  	v3 =	vld [tilespmem:$0x50];
	_ =	sdelay $0x4  }
0x3b0: {  	v53 =	vshrl.u32 v3, $0x3  }
0x3b1: {  	v4 =	vmul.u32 $0x18, v53  }
0x3b2: {  	v3 =	vand.u32 $0x7, v3  }
0x3b3: {  	v3 =	vor.u32 v3, v4  }
0x3b4: {  	v4 =	vperm.xlane v3, v0;
	_ =	sdelay $0x1  }
0x3b5: {  	v4 =	vadd.s32 v1, v4;
	_ =	sdelay $0x1  }
0x3b6: {  	v3 =	vperm.xlane v3, v2;
	_ =	sdelay $0x1  }
0x3b7: {  	s11 =	simm.s32 $0x7900;
	v3 =	vadd.s32 v1, v3  }
0x3b8: {  	[tilespmem:s11], [sflag:$0x1] =	stream.indirect_vreg.gather [hbm4b:s1+s3], $0x80, v4, vm0, $0xb8;
	[tilespmem:$0x18100] =	vst v63  }
0x3b9: {  	s12 =	simm.s32 $0x8100  }
0x3ba: {  	[tilespmem:s12], [sflag:$0x1] =	stream.indirect_vreg.gather [hbm4b:s4+s3], $0x80, v4, vm1, $0xb8;
	[tilespmem:$0x18100] =	vst v63  }
0x3bb: {  	s13 =	simm.s32 $0x8500  }
0x3bc: {  	[tilespmem:s13], [sflag:$0x1] =	stream.indirect_vreg.gather [hbm4b:s1+s3], $0x80, v3, vm0, $0xb8;
	[tilespmem:$0x18100] =	vst v63  }
0x3bd: {  	s22 =	simm.s32 $0x8D00  }
0x3be: {  	[tilespmem:s22], [sflag:$0x1] =	stream.indirect_vreg.gather [hbm4b:s4+s3], $0x80, v3, vm1, $0xb8;
	[tilespmem:$0x18100] =	vst v63  }
0x3bf: {  	v3 =	vld [tilespmem:$0x60];
	_ =	sdelay $0x4  }
0x3c0: {  	v54 =	vshrl.u32 v3, $0x3  }
0x3c1: {  	v4 =	vmul.u32 $0x18, v54  }
0x3c2: {  	v3 =	vand.u32 $0x7, v3  }
0x3c3: {  	v3 =	vor.u32 v3, v4  }
0x3c4: {  	v4 =	vperm.xlane v3, v0;
	_ =	sdelay $0x1  }
0x3c5: {  	v4 =	vadd.s32 v1, v4;
	_ =	sdelay $0x1  }
0x3c6: {  	v3 =	vperm.xlane v3, v2;
	_ =	sdelay $0x1  }
0x3c7: {  	s14 =	simm.s32 $0x9100;
	v3 =	vadd.s32 v1, v3  }
0x3c8: {  	[tilespmem:s14], [sflag:$0x1] =	stream.indirect_vreg.gather [hbm4b:s1+s3], $0x80, v4, vm0, $0xb8;
	[tilespmem:$0x18100] =	vst v63  }
0x3c9: {  	s28 =	simm.s32 $0x9900  }
0x3ca: {  	[tilespmem:s28], [sflag:$0x1] =	stream.indirect_vreg.gather [hbm4b:s4+s3], $0x80, v4, vm1, $0xb8;
	[tilespmem:$0x18100] =	vst v63  }
0x3cb: {  	s31 =	simm.s32 $0x9D00  }
0x3cc: {  	[tilespmem:s31], [sflag:$0x1] =	stream.indirect_vreg.gather [hbm4b:s1+s3], $0x80, v3, vm0, $0xb8;
	[tilespmem:$0x18100] =	vst v63  }
0x3cd: {  	s29 =	simm.s32 $0xA500  }
0x3ce: {  	[tilespmem:s29], [sflag:$0x1] =	stream.indirect_vreg.gather [hbm4b:s4+s3], $0x80, v3, vm1, $0xb8;
	[tilespmem:$0x18100] =	vst v63  }
0x3cf: {  	v3 =	vld [tilespmem:$0x70];
	_ =	sdelay $0x4  }
0x3d0: {  	v55 =	vshrl.u32 v3, $0x3  }
0x3d1: {  	v4 =	vmul.u32 $0x18, v55  }
0x3d2: {  	v3 =	vand.u32 $0x7, v3  }
0x3d3: {  	v3 =	vor.u32 v3, v4  }
0x3d4: {  	v4 =	vperm.xlane v3, v0;
	_ =	sdelay $0x1  }
0x3d5: {  	v4 =	vadd.s32 v1, v4;
	_ =	sdelay $0x1  }
0x3d6: {  	v3 =	vperm.xlane v3, v2;
	_ =	sdelay $0x1  }
0x3d7: {  	s30 =	simm.s32 $0xA900;
	v3 =	vadd.s32 v1, v3  }
0x3d8: {  	[tilespmem:s30], [sflag:$0x1] =	stream.indirect_vreg.gather [hbm4b:s1+s3], $0x80, v4, vm0, $0xb8;
	[tilespmem:$0x18100] =	vst v63  }
0x3d9: {  	s31 =	simm.s32 $0xB100  }
0x3da: {  	[tilespmem:s31], [sflag:$0x1] =	stream.indirect_vreg.gather [hbm4b:s4+s3], $0x80, v4, vm1, $0xb8;
	[tilespmem:$0x18100] =	vst v63  }
0x3db: {  	s10 =	simm.s32 $0xB500  }
0x3dc: {  	[tilespmem:s10], [sflag:$0x1] =	stream.indirect_vreg.gather [hbm4b:s1+s3], $0x80, v3, vm0, $0xb8;
	[tilespmem:$0x18100] =	vst v63  }
0x3dd: {  	s11 =	simm.s32 $0xBD00  }
0x3de: {  	[tilespmem:s11], [sflag:$0x1] =	stream.indirect_vreg.gather [hbm4b:s4+s3], $0x80, v3, vm1, $0xb8;
	[tilespmem:$0x18100] =	vst v63  }
0x3df: {  	_ =	swait.ge [sflag:s25], $0xC000  }
0x3e0: {  	[sflag:s25] =	ssyncset.done $0x0  }
0x3e1: {  	s7 =	simm.s32 $0xC100;
	s12 =	rddreg [dreg:$0x10];
	[sflag:s25] =	ssyncadd.s32 $0xFFFF4000  }
0x3e2: {  	[hbm4b:s12+s3] =	stream.linear.scatter [tilespmem:s7], [sflag:$0x4], $0xC000, $0x38;
	[tilespmem:$0x18100] =	vst v63  }
0x3e3: {  	s13 =	rddreg [dreg:$0x11]  }
0x3e4: {  	[tilespmem:s2], [sflag:$0x5] =	stream.linear.gather [hbm4b:s13+s3], $0x80, $0x38;
	[tilespmem:$0x18100] =	vst v63  }
0x3e5: {  	_ =	swait.ge [sflag:s6], $0x80  }
0x3e6: {  	[sflag:s6] =	ssyncset.done $0x0  }
0x3e7: {  	[sflag:s6] =	ssyncadd.s32 $0xFFFFFF80  }
0x3e8: {  	_ =	swait.ge [sflag:s26], $0xC000  }
0x3e9: {  	[sflag:s26] =	ssyncset.done $0x0  }
0x3ea: {  	[sflag:s26] =	ssyncadd.s32 $0xFFFF4000  }
0x3eb: {  	v3 =	vld [tilespmem:$0x80];
	_ =	sdelay $0x4  }
0x3ec: {  	v56 =	vshrl.u32 v3, $0x3  }
0x3ed: {  	v4 =	vmul.u32 $0x18, v56  }
0x3ee: {  	v3 =	vand.u32 $0x7, v3  }
0x3ef: {  	v3 =	vor.u32 v3, v4  }
0x3f0: {  	v4 =	vperm.xlane v3, v0;
	_ =	sdelay $0x1  }
0x3f1: {  	v4 =	vadd.s32 v1, v4;
	_ =	sdelay $0x1  }
0x3f2: {  	v3 =	vperm.xlane v3, v2;
	_ =	sdelay $0x1  }
0x3f3: {  	v3 =	vadd.s32 v1, v3  }
0x3f4: {  	[tilespmem:s7], [sflag:$0x2] =	stream.indirect_vreg.gather [hbm4b:s1+s3], $0x80, v4, vm0, $0xb8;
	[tilespmem:$0x18100] =	vst v63  }
0x3f5: {  	_ = 	snop  }
0x3f6: {  	[tilespmem:s0], [sflag:$0x2] =	stream.indirect_vreg.gather [hbm4b:s4+s3], $0x80, v4, vm1, $0xb8;
	[tilespmem:$0x18100] =	vst v63  }
0x3f7: {  	s14 =	simm.s32 $0xCD00  }
0x3f8: {  	[tilespmem:s14], [sflag:$0x2] =	stream.indirect_vreg.gather [hbm4b:s1+s3], $0x80, v3, vm0, $0xb8;
	[tilespmem:$0x18100] =	vst v63  }
0x3f9: {  	s15 =	simm.s32 $0xD500  }
0x3fa: {  	[tilespmem:s15], [sflag:$0x2] =	stream.indirect_vreg.gather [hbm4b:s4+s3], $0x80, v3, vm1, $0xb8;
	[tilespmem:$0x18100] =	vst v63  }
0x3fb: {  	v3 =	vld [tilespmem:$0x90];
	_ =	sdelay $0x4  }
0x3fc: {  	v57 =	vshrl.u32 v3, $0x3  }
0x3fd: {  	v4 =	vmul.u32 $0x18, v57  }
0x3fe: {  	v3 =	vand.u32 $0x7, v3  }
0x3ff: {  	v3 =	vor.u32 v3, v4  }
0x400: {  	v4 =	vperm.xlane v3, v0;
	_ =	sdelay $0x1  }
0x401: {  	v4 =	vadd.s32 v1, v4;
	_ =	sdelay $0x1  }
0x402: {  	v3 =	vperm.xlane v3, v2;
	_ =	sdelay $0x1  }
0x403: {  	s16 =	simm.s32 $0xD900;
	v3 =	vadd.s32 v1, v3  }
0x404: {  	[tilespmem:s16], [sflag:$0x2] =	stream.indirect_vreg.gather [hbm4b:s1+s3], $0x80, v4, vm0, $0xb8;
	[tilespmem:$0x18100] =	vst v63  }
0x405: {  	s17 =	simm.s32 $0xE100  }
0x406: {  	[tilespmem:s17], [sflag:$0x2] =	stream.indirect_vreg.gather [hbm4b:s4+s3], $0x80, v4, vm1, $0xb8;
	[tilespmem:$0x18100] =	vst v63  }
0x407: {  	s18 =	simm.s32 $0xE500  }
0x408: {  	[tilespmem:s18], [sflag:$0x2] =	stream.indirect_vreg.gather [hbm4b:s1+s3], $0x80, v3, vm0, $0xb8;
	[tilespmem:$0x18100] =	vst v63  }
0x409: {  	s19 =	simm.s32 $0xED00  }
0x40a: {  	[tilespmem:s19], [sflag:$0x2] =	stream.indirect_vreg.gather [hbm4b:s4+s3], $0x80, v3, vm1, $0xb8;
	[tilespmem:$0x18100] =	vst v63  }
0x40b: {  	v3 =	vld [tilespmem:$0xA0];
	_ =	sdelay $0x4  }
0x40c: {  	v58 =	vshrl.u32 v3, $0x3  }
0x40d: {  	v4 =	vmul.u32 $0x18, v58  }
0x40e: {  	v3 =	vand.u32 $0x7, v3  }
0x40f: {  	v3 =	vor.u32 v3, v4  }
0x410: {  	v4 =	vperm.xlane v3, v0;
	_ =	sdelay $0x1  }
0x411: {  	v4 =	vadd.s32 v1, v4;
	_ =	sdelay $0x1  }
0x412: {  	v3 =	vperm.xlane v3, v2;
	_ =	sdelay $0x1  }
0x413: {  	s20 =	simm.s32 $0xF100;
	v3 =	vadd.s32 v1, v3  }
0x414: {  	[tilespmem:s20], [sflag:$0x2] =	stream.indirect_vreg.gather [hbm4b:s1+s3], $0x80, v4, vm0, $0xb8;
	[tilespmem:$0x18100] =	vst v63  }
0x415: {  	s21 =	simm.s32 $0xF900  }
0x416: {  	[tilespmem:s21], [sflag:$0x2] =	stream.indirect_vreg.gather [hbm4b:s4+s3], $0x80, v4, vm1, $0xb8;
	[tilespmem:$0x18100] =	vst v63  }
0x417: {  	s22 =	simm.s32 $0xFD00  }
0x418: {  	[tilespmem:s22], [sflag:$0x2] =	stream.indirect_vreg.gather [hbm4b:s1+s3], $0x80, v3, vm0, $0xb8;
	[tilespmem:$0x18100] =	vst v63  }
0x419: {  	s28 =	simm.s32 $0x10500  }
0x41a: {  	[tilespmem:s28], [sflag:$0x2] =	stream.indirect_vreg.gather [hbm4b:s4+s3], $0x80, v3, vm1, $0xb8;
	[tilespmem:$0x18100] =	vst v63  }
0x41b: {  	v3 =	vld [tilespmem:$0xB0];
	_ =	sdelay $0x4  }
0x41c: {  	v59 =	vshrl.u32 v3, $0x3  }
0x41d: {  	v4 =	vmul.u32 $0x18, v59  }
0x41e: {  	v3 =	vand.u32 $0x7, v3  }
0x41f: {  	v3 =	vor.u32 v3, v4  }
0x420: {  	v4 =	vperm.xlane v3, v0;
	_ =	sdelay $0x1  }
0x421: {  	v4 =	vadd.s32 v1, v4;
	_ =	sdelay $0x1  }
0x422: {  	v3 =	vperm.xlane v3, v2;
	_ =	sdelay $0x1  }
0x423: {  	s29 =	simm.s32 $0x10900;
	v3 =	vadd.s32 v1, v3  }
0x424: {  	[tilespmem:s29], [sflag:$0x2] =	stream.indirect_vreg.gather [hbm4b:s1+s3], $0x80, v4, vm0, $0xb8;
	[tilespmem:$0x18100] =	vst v63  }
0x425: {  	s30 =	simm.s32 $0x11100  }
0x426: {  	[tilespmem:s30], [sflag:$0x2] =	stream.indirect_vreg.gather [hbm4b:s4+s3], $0x80, v4, vm1, $0xb8;
	[tilespmem:$0x18100] =	vst v63  }
0x427: {  	s31 =	simm.s32 $0x11500  }
0x428: {  	[tilespmem:s31], [sflag:$0x2] =	stream.indirect_vreg.gather [hbm4b:s1+s3], $0x80, v3, vm0, $0xb8;
	[tilespmem:$0x18100] =	vst v63  }
0x429: {  	s2 =	simm.s32 $0x11D00  }
0x42a: {  	[tilespmem:s2], [sflag:$0x2] =	stream.indirect_vreg.gather [hbm4b:s4+s3], $0x80, v3, vm1, $0xb8;
	[tilespmem:$0x18100] =	vst v63  }
0x42b: {  	v3 =	vld [tilespmem:$0xC0];
	_ =	sdelay $0x4  }
0x42c: {  	v60 =	vshrl.u32 v3, $0x3  }
0x42d: {  	v4 =	vmul.u32 $0x18, v60  }
0x42e: {  	v3 =	vand.u32 $0x7, v3  }
0x42f: {  	v3 =	vor.u32 v3, v4  }
0x430: {  	v4 =	vperm.xlane v3, v0;
	_ =	sdelay $0x1  }
0x431: {  	v4 =	vadd.s32 v1, v4;
	_ =	sdelay $0x1  }
0x432: {  	v3 =	vperm.xlane v3, v2;
	_ =	sdelay $0x1  }
0x433: {  	s9 =	simm.s32 $0x12100;
	v3 =	vadd.s32 v1, v3  }
0x434: {  	[tilespmem:s9], [sflag:$0x2] =	stream.indirect_vreg.gather [hbm4b:s1+s3], $0x80, v4, vm0, $0xb8;
	[tilespmem:$0x18100] =	vst v63  }
0x435: {  	s10 =	simm.s32 $0x12900  }
0x436: {  	[tilespmem:s10], [sflag:$0x2] =	stream.indirect_vreg.gather [hbm4b:s4+s3], $0x80, v4, vm1, $0xb8;
	[tilespmem:$0x18100] =	vst v63  }
0x437: {  	s11 =	simm.s32 $0x12D00  }
0x438: {  	[tilespmem:s11], [sflag:$0x2] =	stream.indirect_vreg.gather [hbm4b:s1+s3], $0x80, v3, vm0, $0xb8;
	[tilespmem:$0x18100] =	vst v63  }
0x439: {  	s12 =	simm.s32 $0x13500  }
0x43a: {  	[tilespmem:s12], [sflag:$0x2] =	stream.indirect_vreg.gather [hbm4b:s4+s3], $0x80, v3, vm1, $0xb8;
	[tilespmem:$0x18100] =	vst v63  }
0x43b: {  	v3 =	vld [tilespmem:$0xD0];
	_ =	sdelay $0x4  }
0x43c: {  	v61 =	vshrl.u32 v3, $0x3  }
0x43d: {  	v4 =	vmul.u32 $0x18, v61  }
0x43e: {  	v3 =	vand.u32 $0x7, v3  }
0x43f: {  	v3 =	vor.u32 v3, v4  }
0x440: {  	v4 =	vperm.xlane v3, v0;
	_ =	sdelay $0x1  }
0x441: {  	v4 =	vadd.s32 v1, v4;
	_ =	sdelay $0x1  }
0x442: {  	v3 =	vperm.xlane v3, v2;
	_ =	sdelay $0x1  }
0x443: {  	s13 =	simm.s32 $0x13900;
	v3 =	vadd.s32 v1, v3  }
0x444: {  	[tilespmem:s13], [sflag:$0x2] =	stream.indirect_vreg.gather [hbm4b:s1+s3], $0x80, v4, vm0, $0xb8;
	[tilespmem:$0x18100] =	vst v63  }
0x445: {  	s14 =	simm.s32 $0x14100  }
0x446: {  	[tilespmem:s14], [sflag:$0x2] =	stream.indirect_vreg.gather [hbm4b:s4+s3], $0x80, v4, vm1, $0xb8;
	[tilespmem:$0x18100] =	vst v63  }
0x447: {  	s15 =	simm.s32 $0x14500  }
0x448: {  	[tilespmem:s15], [sflag:$0x2] =	stream.indirect_vreg.gather [hbm4b:s1+s3], $0x80, v3, vm0, $0xb8;
	[tilespmem:$0x18100] =	vst v63  }
0x449: {  	s16 =	simm.s32 $0x14D00  }
0x44a: {  	[tilespmem:s16], [sflag:$0x2] =	stream.indirect_vreg.gather [hbm4b:s4+s3], $0x80, v3, vm1, $0xb8;
	[tilespmem:$0x18100] =	vst v63  }
0x44b: {  	v3 =	vld [tilespmem:$0xE0];
	_ =	sdelay $0x4  }
0x44c: {  	v62 =	vshrl.u32 v3, $0x3  }
0x44d: {  	v4 =	vmul.u32 $0x18, v62  }
0x44e: {  	v3 =	vand.u32 $0x7, v3  }
0x44f: {  	v3 =	vor.u32 v3, v4  }
0x450: {  	v4 =	vperm.xlane v3, v0;
	_ =	sdelay $0x1  }
0x451: {  	v4 =	vadd.s32 v1, v4;
	_ =	sdelay $0x1  }
0x452: {  	v3 =	vperm.xlane v3, v2;
	_ =	sdelay $0x1  }
0x453: {  	s17 =	simm.s32 $0x15100;
	v3 =	vadd.s32 v1, v3  }
0x454: {  	[tilespmem:s17], [sflag:$0x2] =	stream.indirect_vreg.gather [hbm4b:s1+s3], $0x80, v4, vm0, $0xb8;
	[tilespmem:$0x18100] =	vst v63  }
0x455: {  	s18 =	simm.s32 $0x15900  }
0x456: {  	[tilespmem:s18], [sflag:$0x2] =	stream.indirect_vreg.gather [hbm4b:s4+s3], $0x80, v4, vm1, $0xb8;
	[tilespmem:$0x18100] =	vst v63  }
0x457: {  	s19 =	simm.s32 $0x15D00  }
0x458: {  	[tilespmem:s19], [sflag:$0x2] =	stream.indirect_vreg.gather [hbm4b:s1+s3], $0x80, v3, vm0, $0xb8;
	[tilespmem:$0x18100] =	vst v63  }
0x459: {  	s20 =	simm.s32 $0x16500  }
0x45a: {  	[tilespmem:s20], [sflag:$0x2] =	stream.indirect_vreg.gather [hbm4b:s4+s3], $0x80, v3, vm1, $0xb8;
	[tilespmem:$0x18100] =	vst v63  }
0x45b: {  	v3 =	vld [tilespmem:$0xF0];
	_ =	sdelay $0x4  }
0x45c: {  	v63 =	vshrl.u32 v3, $0x3  }
0x45d: {  	v4 =	vmul.u32 $0x18, v63  }
0x45e: {  	v3 =	vand.u32 $0x7, v3  }
0x45f: {  	v3 =	vor.u32 v3, v4  }
0x460: {  	v4 =	vperm.xlane v3, v0;
	_ =	sdelay $0x1  }
0x461: {  	v4 =	vadd.s32 v1, v4;
	_ =	sdelay $0x1  }
0x462: {  	v3 =	vperm.xlane v3, v2;
	_ =	sdelay $0x1  }
0x463: {  	s21 =	simm.s32 $0x16900;
	v3 =	vadd.s32 v1, v3  }
0x464: {  	[tilespmem:s21], [sflag:$0x2] =	stream.indirect_vreg.gather [hbm4b:s1+s3], $0x80, v4, vm0, $0xb8;
	[tilespmem:$0x18100] =	vst v63  }
0x465: {  	s22 =	simm.s32 $0x17100  }
0x466: {  	[tilespmem:s22], [sflag:$0x2] =	stream.indirect_vreg.gather [hbm4b:s4+s3], $0x80, v4, vm1, $0xb8;
	[tilespmem:$0x18100] =	vst v63  }
0x467: {  	s28 =	simm.s32 $0x17500  }
0x468: {  	[tilespmem:s28], [sflag:$0x2] =	stream.indirect_vreg.gather [hbm4b:s1+s3], $0x80, v3, vm0, $0xb8;
	[tilespmem:$0x18100] =	vst v63  }
0x469: {  	s29 =	simm.s32 $0x17D00  }
0x46a: {  	[tilespmem:s29], [sflag:$0x2] =	stream.indirect_vreg.gather [hbm4b:s4+s3], $0x80, v3, vm1, $0xb8;
	[tilespmem:$0x18100] =	vst v63  }
0x46b: {  	_ =	swait.ge [sflag:s23], $0xC000  }
0x46c: {  	[sflag:s23] =	ssyncset.done $0x0  }
0x46d: {  	s8 =	simm.s32 $0x100;
	s30 =	rddreg [dreg:$0x12];
	[sflag:s23] =	ssyncadd.s32 $0xFFFF4000  }
0x46e: {  	[hbm4b:s30+s3] =	stream.linear.scatter [tilespmem:s8], [sflag:$0x3], $0xC000, $0x38;
	[tilespmem:$0x18100] =	vst v63  }
0x46f: {  	_ =	swait.ge [sflag:s25], $0xC000  }
0x470: {  	[sflag:s25] =	ssyncset.done $0x0  }
0x471: {  	s31 =	rddreg [dreg:$0x13];
	[sflag:s25] =	ssyncadd.s32 $0xFFFF4000  }
0x472: {  	[hbm4b:s31+s3] =	stream.linear.scatter [tilespmem:s7], [sflag:$0x4], $0xC000, $0x38;
	[tilespmem:$0x18100] =	vst v63  }
0x473: {  	p0 =	sne.s32 s5, $0x1;
	_ =	swait.ge [sflag:s24], $0xC000  }
.Ltmp0:
0x474: {  	[sflag:s24] =	ssyncset.done $0x0;
	(pc) =	sbr.rel @p0 .LBB2_1-.Ltmp0, $4  }
0x475: {  	[sflag:s24] =	ssyncadd.s32 $0xFFFF4000  }
0x476: {  	_ =	swait.ge [sflag:s26], $0xC000  }
0x477: {  	[sflag:s26] =	ssyncset.done $0x0  }
0x478: {  	s5 =	sadd.s32 $0xFFFFFFFF, s5;
	[sflag:s26] =	ssyncadd.s32 $0xFFFF4000  }
0x479: {  	_ =	sfence.sel $0x180000  }
0x47a: {  	[bflag:$0x0] =	sbarrier.arrive $0xFFFF  }
0x47b: {  	_ =	strace $0x90000047  }
0x47c: {  	s0 =	stileid.u32;
	[bflag:$0x2] =	sbarrier.arrive $0xFFFF  }
0x47d: {  	p0 =	sne.s32 s0, $0x0;
	s0 =	rddreg [dreg:$0x3]  }
0x47e: {  	s0 =	sadd.s32 @!p0 $0x100000, s0  }
0x47f: {  	[sflag:s0] =	ssyncadd.tile.s32 @!p0 $0x1;
	_ =	shalt  }
.Lfunc_end2:
_tile_overlayer_lowered:
.L_overlay_start_2:
0x480: {  	(tag) =	ssettag $0x2  }
0x481: {  	s0 =	rddreg [dreg:$0x0];
	s2 =	stileid.u32  }
0x482: {  	s1 =	rddreg [dreg:$0x1];
	p0 =	sne.s32 s2, $0x0  }
0x483: {  	s3 =	rddreg [dreg:$0x2];
	[bflag:$0x3] =	sbarrier.arrive $0xFFFF;
	s2 =	simm.s32 @!p0 $0x1C05  }
0x484: {  	[timem:s3], [sflag:s2] =	dma.local @!p0 [hbm:s0], s1  }
0x485: {  	s0 =	simm.s32 @!p0 $0x5  }
0x486: {  	_ =	swait.ge @!p0 [sflag:s0], s1  }
0x487: {  	s1 =	ssub.s32 @!p0 $0x0, s1;
	[sflag:s0] =	ssyncset.done @!p0 $0x0  }
0x488: {  	[sflag:s0] =	ssyncadd.s32 @!p0 s1  }
0x489: {  	[bflag:$0x3] =	sbarrier.arrive $0xFFFF  }
0x48a: {  	_ =	shalt  }

</sc_bundles>
